<compile_context>
chip_gen: v7x
topology: tpu7x:2x2x1
jax: 0.10.2.dev20260603
libtpu: 0.0.44.dev20260713+nightly
codegen_flags: <defaults>
</compile_context>

<pallas_src>
import functools

import jax
import jax.numpy as jnp
from jax import lax
from jax.experimental import pallas as pl
from jax.experimental.pallas import tpu as pltpu
from jax.experimental.pallas import tpu_sc as plsc

N = 10000
D = 128
E = 320000
DE = 16
P = 128
B = 16384
S = 10
S2 = 2

NC = 2
NS = 16
NW = NC * NS
CH = 128

_mesh = plsc.VectorSubcoreMesh(core_axis_name="c", subcore_axis_name="s")
_sc_params = pltpu.CompilerParams(use_tc_tiling_on_sc=False)


def _wid():
    return lax.axis_index("s") * NC + lax.axis_index("c")


def _gather_loop(table_hbm, idx_hbm, out_hbm, idx_v, rows_v, sem, cpw):
    wid = _wid()

    def body(i, carry):
        base = pl.multiple_of((wid * cpw + i) * CH, CH)
        pltpu.sync_copy(idx_hbm.at[pl.ds(base, CH)], idx_v)
        pltpu.async_copy(table_hbm.at[idx_v], rows_v, sem).wait()
        pltpu.sync_copy(rows_v, out_hbm.at[pl.ds(base, CH)])
        return carry

    lax.fori_loop(0, cpw, body, 0)


SPAD = 16


def _sc_gather_eidx(n2e16, ids):
    cpw = B // (NW * CH)

    @functools.partial(
        pl.kernel, mesh=_mesh, compiler_params=_sc_params,
        out_type=jax.ShapeDtypeStruct((B, SPAD), jnp.int32),
        scratch_types=[
            pltpu.VMEM((CH,), jnp.int32),
            pltpu.VMEM((CH, SPAD), jnp.int32),
            pltpu.SemaphoreType.DMA,
        ],
    )
    def k(tbl, idx, out, idx_v, rows_v, sem):
        _gather_loop(tbl, idx, out, idx_v, rows_v, sem, cpw)

    return k(n2e16, ids)


def _sc_gather_edges(edge_node_adj, edge_emb, e_ids):
    M = B * S
    cpw = M // (NW * CH)

    @functools.partial(
        pl.kernel, mesh=_mesh, compiler_params=_sc_params,
        out_type=(
            jax.ShapeDtypeStruct((M, SPAD), jnp.int32),
            jax.ShapeDtypeStruct((M, DE), jnp.float32),
        ),
        scratch_types=[
            pltpu.VMEM((CH,), jnp.int32),
            pltpu.VMEM((CH, SPAD), jnp.int32),
            pltpu.VMEM((CH, DE), jnp.float32),
            pltpu.SemaphoreType.DMA,
        ],
    )
    def k(adj_t, emb_t, idx, adj_o, emb_o, idx_v, adj_v, emb_v, sem):
        wid = _wid()

        def body(i, carry):
            base = pl.multiple_of((wid * cpw + i) * CH, CH)
            pltpu.sync_copy(idx.at[pl.ds(base, CH)], idx_v)
            pltpu.async_copy(adj_t.at[idx_v], adj_v, sem).wait()
            pltpu.async_copy(emb_t.at[idx_v], emb_v, sem).wait()
            pltpu.sync_copy(adj_v, adj_o.at[pl.ds(base, CH)])
            pltpu.sync_copy(emb_v, emb_o.at[pl.ds(base, CH)])
            return carry

        lax.fori_loop(0, cpw, body, 0)

    return k(edge_node_adj, edge_emb, e_ids)


def _sc_gather_feats(feats, n0, n1, ids):
    M = B * S
    cpw = M // (NW * CH)
    cpw0 = B // (NW * CH)

    @functools.partial(
        pl.kernel, mesh=_mesh,
        out_type=(
            jax.ShapeDtypeStruct((M, D), jnp.float32),
            jax.ShapeDtypeStruct((M, D), jnp.float32),
            jax.ShapeDtypeStruct((B, D), jnp.float32),
        ),
        scratch_types=[
            pltpu.VMEM((CH,), jnp.int32),
            pltpu.VMEM((CH, D), jnp.float32),
            pltpu.SemaphoreType.DMA,
        ],
    )
    def k(tbl, n0idx, n1idx, bidx, oute, outo, out0, idx_v, rows_v, sem):
        _gather_loop(tbl, n0idx, oute, idx_v, rows_v, sem, cpw)
        _gather_loop(tbl, n1idx, outo, idx_v, rows_v, sem, cpw)
        _gather_loop(tbl, bidx, out0, idx_v, rows_v, sem, cpw0)

    return k(feats, n0, n1, ids)


TB = 512


def _tc_body(fg0_ref, eg_ref, f2e_ref, f2o_ref, wp_ref, wep_ref, wn0s_ref,
             wn0n_ref, we0s_ref, we0n_ref, wn1s_ref, wn1n_ref, out_ref):
    wp = wp_ref[...]
    wep = wep_ref[...]
    wa = wp @ wn0s_ref[...]
    wb = wep @ wn0n_ref[...]
    wc = wep @ we0s_ref[...]
    wd = (wp @ we0n_ref[...]) * 0.5

    fg0 = fg0_ref[...]
    eg = eg_ref[...]
    f2m = f2e_ref[...] + f2o_ref[...]

    g1 = jax.nn.relu(eg @ wc + f2m @ wd)
    em = jnp.mean(eg.reshape(TB, S, DE), axis=1)
    g0 = jax.nn.relu(fg0 @ wa + em @ wb)
    g1m = jnp.mean(g1.reshape(TB, S, P), axis=1)
    h0 = jax.nn.relu(g0 @ wn1s_ref[...] + g1m @ wn1n_ref[...])

    out_ref[:, :P] = g0
    out_ref[:, P:] = h0


def _tc_dense(fg0, eg, f2e, f2o, W_prep, W_edge_prep, Wn0_self, Wn0_neigh,
              We0_self, We0_neigh, Wn1_self, Wn1_neigh):
    grid = (B // TB,)
    wspec = lambda shp: pl.BlockSpec(shp, lambda i: (0,) * len(shp))
    return pl.pallas_call(
        _tc_body,
        grid=grid,
        in_specs=[
            pl.BlockSpec((TB, D), lambda i: (i, 0)),
            pl.BlockSpec((TB * S, DE), lambda i: (i, 0)),
            pl.BlockSpec((TB * S, D), lambda i: (i, 0)),
            pl.BlockSpec((TB * S, D), lambda i: (i, 0)),
            wspec((D, P)),
            wspec((DE, P)),
            wspec((P, P)),
            wspec((P, P)),
            wspec((P, P)),
            wspec((P, P)),
            wspec((P, P)),
            wspec((P, P)),
        ],
        out_specs=pl.BlockSpec((TB, 2 * P), lambda i: (i, 0)),
        out_shape=jax.ShapeDtypeStruct((B, 2 * P), jnp.float32),
    )(fg0, eg, f2e, f2o, W_prep, W_edge_prep, Wn0_self, Wn0_neigh,
      We0_self, We0_neigh, Wn1_self, Wn1_neigh)


def kernel(ids, feats, edge_emb, node2edge_idx, edge_node_adj,
           W_prep, W_edge_prep, Wn0_self, Wn0_neigh,
           We0_self, We0_neigh, Wn1_self, Wn1_neigh):
    n2e16 = jnp.pad(node2edge_idx, ((0, 0), (0, SPAD - S)))
    adj16 = jnp.pad(edge_node_adj, ((0, 0), (0, SPAD - S2)))
    eidx = _sc_gather_eidx(n2e16, ids)
    e_ids = eidx[:, :S].reshape(-1)
    adj, eg = _sc_gather_edges(adj16, edge_emb, e_ids)
    n0 = adj[:, 0]
    n1 = adj[:, 1]
    f2e, f2o, fg0 = _sc_gather_feats(feats, n0, n1, ids)
    out = _tc_dense(fg0, eg, f2e, f2o,
                    W_prep, W_edge_prep, Wn0_self, Wn0_neigh,
                    We0_self, We0_neigh, Wn1_self, Wn1_neigh)
    return out[None]

# --- scband reference (transcript-rebuilt; emitter-appended) ---
"""Pipeline reference for scband-base-conch-gs-16406775071376 (READ-ONLY COPY).

The authoritative reference and input builder live on the scoring server;
editing this copy changes nothing except your own understanding.
"""

import jax, jax.numpy as jnp
import numpy as np

N = 10000      # n_nodes
D = 128        # feats_dim
E = 320000     # n_edges
DE = 16        # edge_dim
P = 128        # prep_len / hidden dim
B = 16384      # batch of seed ids
S = 10         # edges sampled per node (node2edge_idx width)
S2 = 2         # endpoint nodes per edge (edge_node_adj width)


def setup_inputs(seed: int = 0) -> dict:
    key = jax.random.key(seed)
    ks = list(jax.random.split(key, 13))
    sc = 0.05
    inp = {}
    # forward args
    inp['ids'] = jax.random.randint(ks[0], (B,), 0, N, dtype=jnp.int32)
    inp['feats'] = jax.random.normal(ks[1], (N, D), dtype=jnp.float32)
    # registered buffers (graph structure + edge embeddings)
    inp['edge_emb'] = jax.random.normal(ks[2], (E, DE), dtype=jnp.float32)
    inp['node2edge_idx'] = jax.random.randint(ks[3], (N, S), 0, E, dtype=jnp.int32)
    inp['edge_node_adj'] = jax.random.randint(ks[4], (E, S2), 0, N, dtype=jnp.int32)
    # learned parameters
    inp['W_prep'] = jax.random.normal(ks[5], (D, P), dtype=jnp.float32) * sc
    inp['W_edge_prep'] = jax.random.normal(ks[6], (DE, P), dtype=jnp.float32) * sc
    inp['Wn0_self'] = jax.random.normal(ks[7], (P, P), dtype=jnp.float32) * sc
    inp['Wn0_neigh'] = jax.random.normal(ks[8], (P, P), dtype=jnp.float32) * sc
    inp['We0_self'] = jax.random.normal(ks[9], (P, P), dtype=jnp.float32) * sc
    inp['We0_neigh'] = jax.random.normal(ks[10], (P, P), dtype=jnp.float32) * sc
    inp['Wn1_self'] = jax.random.normal(ks[11], (P, P), dtype=jnp.float32) * sc
    inp['Wn1_neigh'] = jax.random.normal(ks[12], (P, P), dtype=jnp.float32) * sc
    return inp


def _agg(x, neigh, Wself, Wneigh):
    # mean-pool aggregator head (n_head=1): neigh is [M*fanout, d]
    m = neigh.reshape(x.shape[0], -1, neigh.shape[-1]).mean(axis=1)
    return jax.nn.relu(x @ Wself + m @ Wneigh)


def reference(ids, feats, edge_emb, node2edge_idx, edge_node_adj,
              W_prep, W_edge_prep, Wn0_self, Wn0_neigh,
              We0_self, We0_neigh, Wn1_self, Wn1_neigh):
    # n_mp = 1 metapath, shuffle=False -> identity edge_perm
    edge_emb_p = edge_emb @ W_edge_prep                      # edge_prep: [E, P]
    # depth-2 neighborhood expansion (prep is a linear projection)
    f0 = jnp.take(feats, ids, axis=0) @ W_prep               # [B, P]
    e_ids = jnp.take(node2edge_idx, ids, axis=0).reshape(-1) # [B*S]
    f1 = jnp.take(edge_emb_p, e_ids, axis=0)                 # [B*S, P]
    n_ids = jnp.take(edge_node_adj, e_ids, axis=0).reshape(-1)  # [B*S*S2]
    f2 = jnp.take(feats, n_ids, axis=0) @ W_prep             # [B*S*S2, P]
    # aggregation sweep, dropout=0 (eval mode)
    g0 = _agg(f0, f1, Wn0_self, Wn0_neigh)   # k=0 even -> node_agg layer 0
    g1 = _agg(f1, f2, We0_self, We0_neigh)   # k=1 odd  -> edge_agg layer 0
    skip0 = g0
    h0 = _agg(g0, g1, Wn1_self, Wn1_neigh)   # node_agg layer 1
    skip1 = h0
    out = jnp.concatenate([skip0, skip1], axis=-1)[None]  # [n_mp=1, B, 2*P]
    return out


if False:  # reference __main__ guard neutralized (emitter)
    out = reference(**setup_inputs())
    print(out.shape)

if __name__ == "__main__":
    import jax
    _d = setup_inputs()
    print(jax.jit(kernel)(*tuple(_d.values())))

</pallas_src>

<mosaic_0001>
#map = affine_map<(d0, d1) -> (0, 0)>
#map1 = affine_map<(d0, d1) -> (0)>
module attributes {stable_mosaic.version = 14 : i64} {
  func.func @k(%arg0: i32, %arg1: i32, %arg2: memref<10000x16xi32, #tpu.memory_space<hbm>>, %arg3: memref<16384xi32, #tpu.memory_space<hbm>>, %arg4: memref<16384x16xi32, #tpu.memory_space<hbm>>, %arg5: memref<128xi32, #tpu.memory_space<vmem>>, %arg6: memref<128x16xi32, #tpu.memory_space<vmem>>, %arg7: memref<!tpu.dma_semaphore, #tpu.memory_space<semaphore_mem>>) attributes {dimension_semantics = [#tpu.dimension_semantics<core_parallel>, #tpu.dimension_semantics<subcore_parallel>], iteration_bounds = array<i64: 2, 16>, scalar_prefetch = 0 : i64, scratch_operands = 3 : i64, tpu.core_type = #tpu.core_type<sc_vector_subcore>, window_params = [{transform_indices = #map}, {transform_indices = #map1}, {transform_indices = #map}]} {
    %mul3A = arith.constant 2 : i32
    %mul3A_0 = arith.muli %arg1, %mul3A : i32
    %add3A = arith.addi %mul3A_0, %arg0 : i32
    %scan3A = arith.constant 0 : i32
    %scan3A_1 = arith.constant 0 : i32
    %scan3A_2 = arith.constant 4 : i32
    %scan3A_3 = arith.addi %scan3A_1, %scan3A_2 : i32
    %scan3A_4 = arith.constant 1 : i32
    scf.for %scan3A_6 = %scan3A_1 to %scan3A_3 step %scan3A_4  : i32 {
      %mul3A_7 = arith.constant 4 : i32
      %mul3A_8 = arith.muli %add3A, %mul3A_7 : i32
      %add3A_9 = arith.addi %mul3A_8, %scan3A_6 : i32
      %mul3A_10 = arith.constant 128 : i32
      %mul3A_11 = arith.muli %add3A_9, %mul3A_10 : i32
      %multiple_of3A = tpu.assume_multiple %mul3A_11, 128 : i32
      "tpu.region"() ({
        %run_scoped3A = tpu.sem_alloc : memref<!tpu.dma_semaphore, #tpu.memory_space<semaphore_mem>>
        %dma_start3A_16 = tpu.memref_slice %arg3[%multiple_of3A] : memref<16384xi32, #tpu.memory_space<hbm>> -> memref<128xi32, #tpu.memory_space<hbm>>
        %dma_start3A_17 = tpu.memref_slice %arg3[%multiple_of3A] : memref<16384xi32, #tpu.memory_space<hbm>> -> memref<128xi32, #tpu.memory_space<hbm>>
        tpu.enqueue_dma source(%dma_start3A_17 : memref<128xi32, #tpu.memory_space<hbm>>) target(%arg5 : memref<128xi32, #tpu.memory_space<vmem>>) target_semaphore(%run_scoped3A : memref<!tpu.dma_semaphore, #tpu.memory_space<semaphore_mem>>)
        %dma_wait3A_18 = tpu.memref_slice %arg3[%multiple_of3A] : memref<16384xi32, #tpu.memory_space<hbm>> -> memref<128xi32, #tpu.memory_space<hbm>>
        %dma_wait3A_19 = tpu.memref_slice %arg3[%multiple_of3A] : memref<16384xi32, #tpu.memory_space<hbm>> -> memref<128xi32, #tpu.memory_space<hbm>>
        tpu.wait_dma2 semaphore(%run_scoped3A : memref<!tpu.dma_semaphore, #tpu.memory_space<semaphore_mem>>) src(%dma_wait3A_19 : memref<128xi32, #tpu.memory_space<hbm>>) dst(%arg5 : memref<128xi32, #tpu.memory_space<vmem>>)
        tpu.yield
      }) : () -> ()
      %dma_start3A = arith.constant 0 : i32
      %dma_start3A_12 = arith.constant 0 : i32
      %dma_start3A_13 = tpu.memref_slice %arg2[%dma_start3A, %dma_start3A_12] : memref<10000x16xi32, #tpu.memory_space<hbm>> -> memref<10000x16xi32, #tpu.memory_space<hbm>>
      tpu.enqueue_indirect_dma source(%dma_start3A_13 : memref<10000x16xi32, #tpu.memory_space<hbm>>) target(%arg6 : memref<128x16xi32, #tpu.memory_space<vmem>>) offsets(%arg5 : memref<128xi32, #tpu.memory_space<vmem>>) semaphore(%arg7 : memref<!tpu.dma_semaphore, #tpu.memory_space<semaphore_mem>>)
      %dma_wait3A = arith.constant 0 : i32
      %dma_wait3A_14 = arith.constant 0 : i32
      %dma_wait3A_15 = tpu.memref_slice %arg2[%dma_wait3A, %dma_wait3A_14] : memref<10000x16xi32, #tpu.memory_space<hbm>> -> memref<10000x16xi32, #tpu.memory_space<hbm>>
      tpu.wait_indirect_dma semaphore(%arg7 : memref<!tpu.dma_semaphore, #tpu.memory_space<semaphore_mem>>) src(%dma_wait3A_15 : memref<10000x16xi32, #tpu.memory_space<hbm>>) dst(%arg6 : memref<128x16xi32, #tpu.memory_space<vmem>>)
      "tpu.region"() ({
        %run_scoped3A = tpu.sem_alloc : memref<!tpu.dma_semaphore, #tpu.memory_space<semaphore_mem>>
        %dma_start3A_16 = arith.constant 0 : i32
        %dma_start3A_17 = tpu.memref_slice %arg4[%multiple_of3A, %dma_start3A_16] : memref<16384x16xi32, #tpu.memory_space<hbm>> -> memref<128x16xi32, #tpu.memory_space<hbm>>
        %dma_start3A_18 = arith.constant 0 : i32
        %dma_start3A_19 = tpu.memref_slice %arg4[%multiple_of3A, %dma_start3A_18] : memref<16384x16xi32, #tpu.memory_space<hbm>> -> memref<128x16xi32, #tpu.memory_space<hbm>>
        tpu.enqueue_dma source(%arg6 : memref<128x16xi32, #tpu.memory_space<vmem>>) target(%dma_start3A_19 : memref<128x16xi32, #tpu.memory_space<hbm>>) target_semaphore(%run_scoped3A : memref<!tpu.dma_semaphore, #tpu.memory_space<semaphore_mem>>)
        %dma_wait3A_20 = arith.constant 0 : i32
        %dma_wait3A_21 = tpu.memref_slice %arg4[%multiple_of3A, %dma_wait3A_20] : memref<16384x16xi32, #tpu.memory_space<hbm>> -> memref<128x16xi32, #tpu.memory_space<hbm>>
        %dma_wait3A_22 = arith.constant 0 : i32
        %dma_wait3A_23 = tpu.memref_slice %arg4[%multiple_of3A, %dma_wait3A_22] : memref<16384x16xi32, #tpu.memory_space<hbm>> -> memref<128x16xi32, #tpu.memory_space<hbm>>
        tpu.wait_dma2 semaphore(%run_scoped3A : memref<!tpu.dma_semaphore, #tpu.memory_space<semaphore_mem>>) src(%arg6 : memref<128x16xi32, #tpu.memory_space<vmem>>) dst(%dma_wait3A_23 : memref<128x16xi32, #tpu.memory_space<hbm>>)
        tpu.yield
      }) : () -> ()
    }
    %scan3A_5 = arith.constant 4 : i32
    return
  }
}

#map = affine_map<(d0, d1) -> (0, 0)>
#map1 = affine_map<(d0, d1) -> (0)>
module attributes {stable_mosaic.version = 14 : i64} {
  func.func @k(%arg0: i32, %arg1: i32, %arg2: memref<10000x128xf32, #tpu.memory_space<hbm>>, %arg3: memref<163840xi32, #tpu.memory_space<hbm>>, %arg4: memref<163840xi32, #tpu.memory_space<hbm>>, %arg5: memref<16384xi32, #tpu.memory_space<hbm>>, %arg6: memref<163840x128xf32, #tpu.memory_space<hbm>>, %arg7: memref<163840x128xf32, #tpu.memory_space<hbm>>, %arg8: memref<16384x128xf32, #tpu.memory_space<hbm>>, %arg9: memref<128xi32, #tpu.memory_space<vmem>>, %arg10: memref<128x128xf32, #tpu.memory_space<vmem>>, %arg11: memref<!tpu.dma_semaphore, #tpu.memory_space<semaphore_mem>>) attributes {dimension_semantics = [#tpu.dimension_semantics<core_parallel>, #tpu.dimension_semantics<subcore_parallel>], iteration_bounds = array<i64: 2, 16>, scalar_prefetch = 0 : i64, scratch_operands = 3 : i64, tpu.core_type = #tpu.core_type<sc_vector_subcore>, window_params = [{transform_indices = #map}, {transform_indices = #map1}, {transform_indices = #map1}, {transform_indices = #map1}, {transform_indices = #map}, {transform_indices = #map}, {transform_indices = #map}]} {
    %mul3A = arith.constant 2 : i32
    %mul3A_0 = arith.muli %arg1, %mul3A : i32
    %add3A = arith.addi %mul3A_0, %arg0 : i32
    %scan3A = arith.constant 0 : i32
    %scan3A_1 = arith.constant 0 : i32
    %scan3A_2 = arith.constant 40 : i32
    %scan3A_3 = arith.addi %scan3A_1, %scan3A_2 : i32
    %scan3A_4 = arith.constant 1 : i32
    scf.for %scan3A_24 = %scan3A_1 to %scan3A_3 step %scan3A_4  : i32 {
      %mul3A_25 = arith.constant 40 : i32
      %mul3A_26 = arith.muli %add3A, %mul3A_25 : i32
      %add3A_27 = arith.addi %mul3A_26, %scan3A_24 : i32
      %mul3A_28 = arith.constant 128 : i32
      %mul3A_29 = arith.muli %add3A_27, %mul3A_28 : i32
      %multiple_of3A = tpu.assume_multiple %mul3A_29, 128 : i32
      "tpu.region"() ({
        %run_scoped3A = tpu.sem_alloc : memref<!tpu.dma_semaphore, #tpu.memory_space<semaphore_mem>>
        %dma_start3A_34 = tpu.memref_slice %arg3[%multiple_of3A] : memref<163840xi32, #tpu.memory_space<hbm>> -> memref<128xi32, #tpu.memory_space<hbm>>
        %dma_start3A_35 = tpu.memref_slice %arg3[%multiple_of3A] : memref<163840xi32, #tpu.memory_space<hbm>> -> memref<128xi32, #tpu.memory_space<hbm>>
        tpu.enqueue_dma source(%dma_start3A_35 : memref<128xi32, #tpu.memory_space<hbm>>) target(%arg9 : memref<128xi32, #tpu.memory_space<vmem>>) target_semaphore(%run_scoped3A : memref<!tpu.dma_semaphore, #tpu.memory_space<semaphore_mem>>)
        %dma_wait3A_36 = tpu.memref_slice %arg3[%multiple_of3A] : memref<163840xi32, #tpu.memory_space<hbm>> -> memref<128xi32, #tpu.memory_space<hbm>>
        %dma_wait3A_37 = tpu.memref_slice %arg3[%multiple_of3A] : memref<163840xi32, #tpu.memory_space<hbm>> -> memref<128xi32, #tpu.memory_space<hbm>>
        tpu.wait_dma2 semaphore(%run_scoped3A : memref<!tpu.dma_semaphore, #tpu.memory_space<semaphore_mem>>) src(%dma_wait3A_37 : memref<128xi32, #tpu.memory_space<hbm>>) dst(%arg9 : memref<128xi32, #tpu.memory_space<vmem>>)
        tpu.yield
      }) : () -> ()
      %dma_start3A = arith.constant 0 : i32
      %dma_start3A_30 = arith.constant 0 : i32
      %dma_start3A_31 = tpu.memref_slice %arg2[%dma_start3A, %dma_start3A_30] : memref<10000x128xf32, #tpu.memory_space<hbm>> -> memref<10000x128xf32, #tpu.memory_space<hbm>>
      tpu.enqueue_indirect_dma source(%dma_start3A_31 : memref<10000x128xf32, #tpu.memory_space<hbm>>) target(%arg10 : memref<128x128xf32, #tpu.memory_space<vmem>>) offsets(%arg9 : memref<128xi32, #tpu.memory_space<vmem>>) semaphore(%arg11 : memref<!tpu.dma_semaphore, #tpu.memory_space<semaphore_mem>>)
      %dma_wait3A = arith.constant 0 : i32
      %dma_wait3A_32 = arith.constant 0 : i32
      %dma_wait3A_33 = tpu.memref_slice %arg2[%dma_wait3A, %dma_wait3A_32] : memref<10000x128xf32, #tpu.memory_space<hbm>> -> memref<10000x128xf32, #tpu.memory_space<hbm>>
      tpu.wait_indirect_dma semaphore(%arg11 : memref<!tpu.dma_semaphore, #tpu.memory_space<semaphore_mem>>) src(%dma_wait3A_33 : memref<10000x128xf32, #tpu.memory_space<hbm>>) dst(%arg10 : memref<128x128xf32, #tpu.memory_space<vmem>>)
      "tpu.region"() ({
        %run_scoped3A = tpu.sem_alloc : memref<!tpu.dma_semaphore, #tpu.memory_space<semaphore_mem>>
        %dma_start3A_34 = arith.constant 0 : i32
        %dma_start3A_35 = tpu.memref_slice %arg6[%multiple_of3A, %dma_start3A_34] : memref<163840x128xf32, #tpu.memory_space<hbm>> -> memref<128x128xf32, #tpu.memory_space<hbm>>
        %dma_start3A_36 = arith.constant 0 : i32
        %dma_start3A_37 = tpu.memref_slice %arg6[%multiple_of3A, %dma_start3A_36] : memref<163840x128xf32, #tpu.memory_space<hbm>> -> memref<128x128xf32, #tpu.memory_space<hbm>>
        tpu.enqueue_dma source(%arg10 : memref<128x128xf32, #tpu.memory_space<vmem>>) target(%dma_start3A_37 : memref<128x128xf32, #tpu.memory_space<hbm>>) target_semaphore(%run_scoped3A : memref<!tpu.dma_semaphore, #tpu.memory_space<semaphore_mem>>)
        %dma_wait3A_38 = arith.constant 0 : i32
        %dma_wait3A_39 = tpu.memref_slice %arg6[%multiple_of3A, %dma_wait3A_38] : memref<163840x128xf32, #tpu.memory_space<hbm>> -> memref<128x128xf32, #tpu.memory_space<hbm>>
        %dma_wait3A_40 = arith.constant 0 : i32
        %dma_wait3A_41 = tpu.memref_slice %arg6[%multiple_of3A, %dma_wait3A_40] : memref<163840x128xf32, #tpu.memory_space<hbm>> -> memref<128x128xf32, #tpu.memory_space<hbm>>
        tpu.wait_dma2 semaphore(%run_scoped3A : memref<!tpu.dma_semaphore, #tpu.memory_space<semaphore_mem>>) src(%arg10 : memref<128x128xf32, #tpu.memory_space<vmem>>) dst(%dma_wait3A_41 : memref<128x128xf32, #tpu.memory_space<hbm>>)
        tpu.yield
      }) : () -> ()
    }
    %scan3A_5 = arith.constant 40 : i32
    %mul3A_6 = arith.constant 2 : i32
    %mul3A_7 = arith.muli %arg1, %mul3A_6 : i32
    %add3A_8 = arith.addi %mul3A_7, %arg0 : i32
    %scan3A_9 = arith.constant 0 : i32
    %scan3A_10 = arith.constant 0 : i32
    %scan3A_11 = arith.constant 40 : i32
    %scan3A_12 = arith.addi %scan3A_10, %scan3A_11 : i32
    %scan3A_13 = arith.constant 1 : i32
    scf.for %scan3A_24 = %scan3A_10 to %scan3A_12 step %scan3A_13  : i32 {
      %mul3A_25 = arith.constant 40 : i32
      %mul3A_26 = arith.muli %add3A_8, %mul3A_25 : i32
      %add3A_27 = arith.addi %mul3A_26, %scan3A_24 : i32
      %mul3A_28 = arith.constant 128 : i32
      %mul3A_29 = arith.muli %add3A_27, %mul3A_28 : i32
      %multiple_of3A = tpu.assume_multiple %mul3A_29, 128 : i32
      "tpu.region"() ({
        %run_scoped3A = tpu.sem_alloc : memref<!tpu.dma_semaphore, #tpu.memory_space<semaphore_mem>>
        %dma_start3A_34 = tpu.memref_slice %arg4[%multiple_of3A] : memref<163840xi32, #tpu.memory_space<hbm>> -> memref<128xi32, #tpu.memory_space<hbm>>
        %dma_start3A_35 = tpu.memref_slice %arg4[%multiple_of3A] : memref<163840xi32, #tpu.memory_space<hbm>> -> memref<128xi32, #tpu.memory_space<hbm>>
        tpu.enqueue_dma source(%dma_start3A_35 : memref<128xi32, #tpu.memory_space<hbm>>) target(%arg9 : memref<128xi32, #tpu.memory_space<vmem>>) target_semaphore(%run_scoped3A : memref<!tpu.dma_semaphore, #tpu.memory_space<semaphore_mem>>)
        %dma_wait3A_36 = tpu.memref_slice %arg4[%multiple_of3A] : memref<163840xi32, #tpu.memory_space<hbm>> -> memref<128xi32, #tpu.memory_space<hbm>>
        %dma_wait3A_37 = tpu.memref_slice %arg4[%multiple_of3A] : memref<163840xi32, #tpu.memory_space<hbm>> -> memref<128xi32, #tpu.memory_space<hbm>>
        tpu.wait_dma2 semaphore(%run_scoped3A : memref<!tpu.dma_semaphore, #tpu.memory_space<semaphore_mem>>) src(%dma_wait3A_37 : memref<128xi32, #tpu.memory_space<hbm>>) dst(%arg9 : memref<128xi32, #tpu.memory_space<vmem>>)
        tpu.yield
      }) : () -> ()
      %dma_start3A = arith.constant 0 : i32
      %dma_start3A_30 = arith.constant 0 : i32
      %dma_start3A_31 = tpu.memref_slice %arg2[%dma_start3A, %dma_start3A_30] : memref<10000x128xf32, #tpu.memory_space<hbm>> -> memref<10000x128xf32, #tpu.memory_space<hbm>>
      tpu.enqueue_indirect_dma source(%dma_start3A_31 : memref<10000x128xf32, #tpu.memory_space<hbm>>) target(%arg10 : memref<128x128xf32, #tpu.memory_space<vmem>>) offsets(%arg9 : memref<128xi32, #tpu.memory_space<vmem>>) semaphore(%arg11 : memref<!tpu.dma_semaphore, #tpu.memory_space<semaphore_mem>>)
      %dma_wait3A = arith.constant 0 : i32
      %dma_wait3A_32 = arith.constant 0 : i32
      %dma_wait3A_33 = tpu.memref_slice %arg2[%dma_wait3A, %dma_wait3A_32] : memref<10000x128xf32, #tpu.memory_space<hbm>> -> memref<10000x128xf32, #tpu.memory_space<hbm>>
      tpu.wait_indirect_dma semaphore(%arg11 : memref<!tpu.dma_semaphore, #tpu.memory_space<semaphore_mem>>) src(%dma_wait3A_33 : memref<10000x128xf32, #tpu.memory_space<hbm>>) dst(%arg10 : memref<128x128xf32, #tpu.memory_space<vmem>>)
      "tpu.region"() ({
        %run_scoped3A = tpu.sem_alloc : memref<!tpu.dma_semaphore, #tpu.memory_space<semaphore_mem>>
        %dma_start3A_34 = arith.constant 0 : i32
        %dma_start3A_35 = tpu.memref_slice %arg7[%multiple_of3A, %dma_start3A_34] : memref<163840x128xf32, #tpu.memory_space<hbm>> -> memref<128x128xf32, #tpu.memory_space<hbm>>
        %dma_start3A_36 = arith.constant 0 : i32
        %dma_start3A_37 = tpu.memref_slice %arg7[%multiple_of3A, %dma_start3A_36] : memref<163840x128xf32, #tpu.memory_space<hbm>> -> memref<128x128xf32, #tpu.memory_space<hbm>>
        tpu.enqueue_dma source(%arg10 : memref<128x128xf32, #tpu.memory_space<vmem>>) target(%dma_start3A_37 : memref<128x128xf32, #tpu.memory_space<hbm>>) target_semaphore(%run_scoped3A : memref<!tpu.dma_semaphore, #tpu.memory_space<semaphore_mem>>)
        %dma_wait3A_38 = arith.constant 0 : i32
        %dma_wait3A_39 = tpu.memref_slice %arg7[%multiple_of3A, %dma_wait3A_38] : memref<163840x128xf32, #tpu.memory_space<hbm>> -> memref<128x128xf32, #tpu.memory_space<hbm>>
        %dma_wait3A_40 = arith.constant 0 : i32
        %dma_wait3A_41 = tpu.memref_slice %arg7[%multiple_of3A, %dma_wait3A_40] : memref<163840x128xf32, #tpu.memory_space<hbm>> -> memref<128x128xf32, #tpu.memory_space<hbm>>
        tpu.wait_dma2 semaphore(%run_scoped3A : memref<!tpu.dma_semaphore, #tpu.memory_space<semaphore_mem>>) src(%arg10 : memref<128x128xf32, #tpu.memory_space<vmem>>) dst(%dma_wait3A_41 : memref<128x128xf32, #tpu.memory_space<hbm>>)
        tpu.yield
      }) : () -> ()
    }
    %scan3A_14 = arith.constant 40 : i32
    %mul3A_15 = arith.constant 2 : i32
    %mul3A_16 = arith.muli %arg1, %mul3A_15 : i32
    %add3A_17 = arith.addi %mul3A_16, %arg0 : i32
    %scan3A_18 = arith.constant 0 : i32
    %scan3A_19 = arith.constant 0 : i32
    %scan3A_20 = arith.constant 4 : i32
    %scan3A_21 = arith.addi %scan3A_19, %scan3A_20 : i32
    %scan3A_22 = arith.constant 1 : i32
    scf.for %scan3A_24 = %scan3A_19 to %scan3A_21 step %scan3A_22  : i32 {
      %mul3A_25 = arith.constant 4 : i32
      %mul3A_26 = arith.muli %add3A_17, %mul3A_25 : i32
      %add3A_27 = arith.addi %mul3A_26, %scan3A_24 : i32
      %mul3A_28 = arith.constant 128 : i32
      %mul3A_29 = arith.muli %add3A_27, %mul3A_28 : i32
      %multiple_of3A = tpu.assume_multiple %mul3A_29, 128 : i32
      "tpu.region"() ({
        %run_scoped3A = tpu.sem_alloc : memref<!tpu.dma_semaphore, #tpu.memory_space<semaphore_mem>>
        %dma_start3A_34 = tpu.memref_slice %arg5[%multiple_of3A] : memref<16384xi32, #tpu.memory_space<hbm>> -> memref<128xi32, #tpu.memory_space<hbm>>
        %dma_start3A_35 = tpu.memref_slice %arg5[%multiple_of3A] : memref<16384xi32, #tpu.memory_space<hbm>> -> memref<128xi32, #tpu.memory_space<hbm>>
        tpu.enqueue_dma source(%dma_start3A_35 : memref<128xi32, #tpu.memory_space<hbm>>) target(%arg9 : memref<128xi32, #tpu.memory_space<vmem>>) target_semaphore(%run_scoped3A : memref<!tpu.dma_semaphore, #tpu.memory_space<semaphore_mem>>)
        %dma_wait3A_36 = tpu.memref_slice %arg5[%multiple_of3A] : memref<16384xi32, #tpu.memory_space<hbm>> -> memref<128xi32, #tpu.memory_space<hbm>>
        %dma_wait3A_37 = tpu.memref_slice %arg5[%multiple_of3A] : memref<16384xi32, #tpu.memory_space<hbm>> -> memref<128xi32, #tpu.memory_space<hbm>>
        tpu.wait_dma2 semaphore(%run_scoped3A : memref<!tpu.dma_semaphore, #tpu.memory_space<semaphore_mem>>) src(%dma_wait3A_37 : memref<128xi32, #tpu.memory_space<hbm>>) dst(%arg9 : memref<128xi32, #tpu.memory_space<vmem>>)
        tpu.yield
      }) : () -> ()
      %dma_start3A = arith.constant 0 : i32
      %dma_start3A_30 = arith.constant 0 : i32
      %dma_start3A_31 = tpu.memref_slice %arg2[%dma_start3A, %dma_start3A_30] : memref<10000x128xf32, #tpu.memory_space<hbm>> -> memref<10000x128xf32, #tpu.memory_space<hbm>>
      tpu.enqueue_indirect_dma source(%dma_start3A_31 : memref<10000x128xf32, #tpu.memory_space<hbm>>) target(%arg10 : memref<128x128xf32, #tpu.memory_space<vmem>>) offsets(%arg9 : memref<128xi32, #tpu.memory_space<vmem>>) semaphore(%arg11 : memref<!tpu.dma_semaphore, #tpu.memory_space<semaphore_mem>>)
      %dma_wait3A = arith.constant 0 : i32
      %dma_wait3A_32 = arith.constant 0 : i32
      %dma_wait3A_33 = tpu.memref_slice %arg2[%dma_wait3A, %dma_wait3A_32] : memref<10000x128xf32, #tpu.memory_space<hbm>> -> memref<10000x128xf32, #tpu.memory_space<hbm>>
      tpu.wait_indirect_dma semaphore(%arg11 : memref<!tpu.dma_semaphore, #tpu.memory_space<semaphore_mem>>) src(%dma_wait3A_33 : memref<10000x128xf32, #tpu.memory_space<hbm>>) dst(%arg10 : memref<128x128xf32, #tpu.memory_space<vmem>>)
      "tpu.region"() ({
        %run_scoped3A = tpu.sem_alloc : memref<!tpu.dma_semaphore, #tpu.memory_space<semaphore_mem>>
        %dma_start3A_34 = arith.constant 0 : i32
        %dma_start3A_35 = tpu.memref_slice %arg8[%multiple_of3A, %dma_start3A_34] : memref<16384x128xf32, #tpu.memory_space<hbm>> -> memref<128x128xf32, #tpu.memory_space<hbm>>
        %dma_start3A_36 = arith.constant 0 : i32
        %dma_start3A_37 = tpu.memref_slice %arg8[%multiple_of3A, %dma_start3A_36] : memref<16384x128xf32, #tpu.memory_space<hbm>> -> memref<128x128xf32, #tpu.memory_space<hbm>>
        tpu.enqueue_dma source(%arg10 : memref<128x128xf32, #tpu.memory_space<vmem>>) target(%dma_start3A_37 : memref<128x128xf32, #tpu.memory_space<hbm>>) target_semaphore(%run_scoped3A : memref<!tpu.dma_semaphore, #tpu.memory_space<semaphore_mem>>)
        %dma_wait3A_38 = arith.constant 0 : i32
        %dma_wait3A_39 = tpu.memref_slice %arg8[%multiple_of3A, %dma_wait3A_38] : memref<16384x128xf32, #tpu.memory_space<hbm>> -> memref<128x128xf32, #tpu.memory_space<hbm>>
        %dma_wait3A_40 = arith.constant 0 : i32
        %dma_wait3A_41 = tpu.memref_slice %arg8[%multiple_of3A, %dma_wait3A_40] : memref<16384x128xf32, #tpu.memory_space<hbm>> -> memref<128x128xf32, #tpu.memory_space<hbm>>
        tpu.wait_dma2 semaphore(%run_scoped3A : memref<!tpu.dma_semaphore, #tpu.memory_space<semaphore_mem>>) src(%arg10 : memref<128x128xf32, #tpu.memory_space<vmem>>) dst(%dma_wait3A_41 : memref<128x128xf32, #tpu.memory_space<hbm>>)
        tpu.yield
      }) : () -> ()
    }
    %scan3A_23 = arith.constant 4 : i32
    return
  }
}

#map = affine_map<(d0, d1) -> (0, 0)>
#map1 = affine_map<(d0, d1) -> (0)>
module attributes {stable_mosaic.version = 14 : i64} {
  func.func @k(%arg0: i32, %arg1: i32, %arg2: memref<320000x16xi32, #tpu.memory_space<hbm>>, %arg3: memref<320000x16xf32, #tpu.memory_space<hbm>>, %arg4: memref<163840xi32, #tpu.memory_space<hbm>>, %arg5: memref<163840x16xi32, #tpu.memory_space<hbm>>, %arg6: memref<163840x16xf32, #tpu.memory_space<hbm>>, %arg7: memref<128xi32, #tpu.memory_space<vmem>>, %arg8: memref<128x16xi32, #tpu.memory_space<vmem>>, %arg9: memref<128x16xf32, #tpu.memory_space<vmem>>, %arg10: memref<!tpu.dma_semaphore, #tpu.memory_space<semaphore_mem>>) attributes {dimension_semantics = [#tpu.dimension_semantics<core_parallel>, #tpu.dimension_semantics<subcore_parallel>], iteration_bounds = array<i64: 2, 16>, scalar_prefetch = 0 : i64, scratch_operands = 4 : i64, tpu.core_type = #tpu.core_type<sc_vector_subcore>, window_params = [{transform_indices = #map}, {transform_indices = #map}, {transform_indices = #map1}, {transform_indices = #map}, {transform_indices = #map}]} {
    %mul3A = arith.constant 2 : i32
    %mul3A_0 = arith.muli %arg1, %mul3A : i32
    %add3A = arith.addi %mul3A_0, %arg0 : i32
    %scan3A = arith.constant 0 : i32
    %scan3A_1 = arith.constant 0 : i32
    %scan3A_2 = arith.constant 40 : i32
    %scan3A_3 = arith.addi %scan3A_1, %scan3A_2 : i32
    %scan3A_4 = arith.constant 1 : i32
    scf.for %scan3A_6 = %scan3A_1 to %scan3A_3 step %scan3A_4  : i32 {
      %mul3A_7 = arith.constant 40 : i32
      %mul3A_8 = arith.muli %add3A, %mul3A_7 : i32
      %add3A_9 = arith.addi %mul3A_8, %scan3A_6 : i32
      %mul3A_10 = arith.constant 128 : i32
      %mul3A_11 = arith.muli %add3A_9, %mul3A_10 : i32
      %multiple_of3A = tpu.assume_multiple %mul3A_11, 128 : i32
      "tpu.region"() ({
        %run_scoped3A = tpu.sem_alloc : memref<!tpu.dma_semaphore, #tpu.memory_space<semaphore_mem>>
        %dma_start3A_22 = tpu.memref_slice %arg4[%multiple_of3A] : memref<163840xi32, #tpu.memory_space<hbm>> -> memref<128xi32, #tpu.memory_space<hbm>>
        %dma_start3A_23 = tpu.memref_slice %arg4[%multiple_of3A] : memref<163840xi32, #tpu.memory_space<hbm>> -> memref<128xi32, #tpu.memory_space<hbm>>
        tpu.enqueue_dma source(%dma_start3A_23 : memref<128xi32, #tpu.memory_space<hbm>>) target(%arg7 : memref<128xi32, #tpu.memory_space<vmem>>) target_semaphore(%run_scoped3A : memref<!tpu.dma_semaphore, #tpu.memory_space<semaphore_mem>>)
        %dma_wait3A_24 = tpu.memref_slice %arg4[%multiple_of3A] : memref<163840xi32, #tpu.memory_space<hbm>> -> memref<128xi32, #tpu.memory_space<hbm>>
        %dma_wait3A_25 = tpu.memref_slice %arg4[%multiple_of3A] : memref<163840xi32, #tpu.memory_space<hbm>> -> memref<128xi32, #tpu.memory_space<hbm>>
        tpu.wait_dma2 semaphore(%run_scoped3A : memref<!tpu.dma_semaphore, #tpu.memory_space<semaphore_mem>>) src(%dma_wait3A_25 : memref<128xi32, #tpu.memory_space<hbm>>) dst(%arg7 : memref<128xi32, #tpu.memory_space<vmem>>)
        tpu.yield
      }) : () -> ()
      %dma_start3A = arith.constant 0 : i32
      %dma_start3A_12 = arith.constant 0 : i32
      %dma_start3A_13 = tpu.memref_slice %arg2[%dma_start3A, %dma_start3A_12] : memref<320000x16xi32, #tpu.memory_space<hbm>> -> memref<320000x16xi32, #tpu.memory_space<hbm>>
      tpu.enqueue_indirect_dma source(%dma_start3A_13 : memref<320000x16xi32, #tpu.memory_space<hbm>>) target(%arg8 : memref<128x16xi32, #tpu.memory_space<vmem>>) offsets(%arg7 : memref<128xi32, #tpu.memory_space<vmem>>) semaphore(%arg10 : memref<!tpu.dma_semaphore, #tpu.memory_space<semaphore_mem>>)
      %dma_wait3A = arith.constant 0 : i32
      %dma_wait3A_14 = arith.constant 0 : i32
      %dma_wait3A_15 = tpu.memref_slice %arg2[%dma_wait3A, %dma_wait3A_14] : memref<320000x16xi32, #tpu.memory_space<hbm>> -> memref<320000x16xi32, #tpu.memory_space<hbm>>
      tpu.wait_indirect_dma semaphore(%arg10 : memref<!tpu.dma_semaphore, #tpu.memory_space<semaphore_mem>>) src(%dma_wait3A_15 : memref<320000x16xi32, #tpu.memory_space<hbm>>) dst(%arg8 : memref<128x16xi32, #tpu.memory_space<vmem>>)
      %dma_start3A_16 = arith.constant 0 : i32
      %dma_start3A_17 = arith.constant 0 : i32
      %dma_start3A_18 = tpu.memref_slice %arg3[%dma_start3A_16, %dma_start3A_17] : memref<320000x16xf32, #tpu.memory_space<hbm>> -> memref<320000x16xf32, #tpu.memory_space<hbm>>
      tpu.enqueue_indirect_dma source(%dma_start3A_18 : memref<320000x16xf32, #tpu.memory_space<hbm>>) target(%arg9 : memref<128x16xf32, #tpu.memory_space<vmem>>) offsets(%arg7 : memref<128xi32, #tpu.memory_space<vmem>>) semaphore(%arg10 : memref<!tpu.dma_semaphore, #tpu.memory_space<semaphore_mem>>)
      %dma_wait3A_19 = arith.constant 0 : i32
      %dma_wait3A_20 = arith.constant 0 : i32
      %dma_wait3A_21 = tpu.memref_slice %arg3[%dma_wait3A_19, %dma_wait3A_20] : memref<320000x16xf32, #tpu.memory_space<hbm>> -> memref<320000x16xf32, #tpu.memory_space<hbm>>
      tpu.wait_indirect_dma semaphore(%arg10 : memref<!tpu.dma_semaphore, #tpu.memory_space<semaphore_mem>>) src(%dma_wait3A_21 : memref<320000x16xf32, #tpu.memory_space<hbm>>) dst(%arg9 : memref<128x16xf32, #tpu.memory_space<vmem>>)
      "tpu.region"() ({
        %run_scoped3A = tpu.sem_alloc : memref<!tpu.dma_semaphore, #tpu.memory_space<semaphore_mem>>
        %dma_start3A_22 = arith.constant 0 : i32
        %dma_start3A_23 = tpu.memref_slice %arg5[%multiple_of3A, %dma_start3A_22] : memref<163840x16xi32, #tpu.memory_space<hbm>> -> memref<128x16xi32, #tpu.memory_space<hbm>>
        %dma_start3A_24 = arith.constant 0 : i32
        %dma_start3A_25 = tpu.memref_slice %arg5[%multiple_of3A, %dma_start3A_24] : memref<163840x16xi32, #tpu.memory_space<hbm>> -> memref<128x16xi32, #tpu.memory_space<hbm>>
        tpu.enqueue_dma source(%arg8 : memref<128x16xi32, #tpu.memory_space<vmem>>) target(%dma_start3A_25 : memref<128x16xi32, #tpu.memory_space<hbm>>) target_semaphore(%run_scoped3A : memref<!tpu.dma_semaphore, #tpu.memory_space<semaphore_mem>>)
        %dma_wait3A_26 = arith.constant 0 : i32
        %dma_wait3A_27 = tpu.memref_slice %arg5[%multiple_of3A, %dma_wait3A_26] : memref<163840x16xi32, #tpu.memory_space<hbm>> -> memref<128x16xi32, #tpu.memory_space<hbm>>
        %dma_wait3A_28 = arith.constant 0 : i32
        %dma_wait3A_29 = tpu.memref_slice %arg5[%multiple_of3A, %dma_wait3A_28] : memref<163840x16xi32, #tpu.memory_space<hbm>> -> memref<128x16xi32, #tpu.memory_space<hbm>>
        tpu.wait_dma2 semaphore(%run_scoped3A : memref<!tpu.dma_semaphore, #tpu.memory_space<semaphore_mem>>) src(%arg8 : memref<128x16xi32, #tpu.memory_space<vmem>>) dst(%dma_wait3A_29 : memref<128x16xi32, #tpu.memory_space<hbm>>)
        tpu.yield
      }) : () -> ()
      "tpu.region"() ({
        %run_scoped3A = tpu.sem_alloc : memref<!tpu.dma_semaphore, #tpu.memory_space<semaphore_mem>>
        %dma_start3A_22 = arith.constant 0 : i32
        %dma_start3A_23 = tpu.memref_slice %arg6[%multiple_of3A, %dma_start3A_22] : memref<163840x16xf32, #tpu.memory_space<hbm>> -> memref<128x16xf32, #tpu.memory_space<hbm>>
        %dma_start3A_24 = arith.constant 0 : i32
        %dma_start3A_25 = tpu.memref_slice %arg6[%multiple_of3A, %dma_start3A_24] : memref<163840x16xf32, #tpu.memory_space<hbm>> -> memref<128x16xf32, #tpu.memory_space<hbm>>
        tpu.enqueue_dma source(%arg9 : memref<128x16xf32, #tpu.memory_space<vmem>>) target(%dma_start3A_25 : memref<128x16xf32, #tpu.memory_space<hbm>>) target_semaphore(%run_scoped3A : memref<!tpu.dma_semaphore, #tpu.memory_space<semaphore_mem>>)
        %dma_wait3A_26 = arith.constant 0 : i32
        %dma_wait3A_27 = tpu.memref_slice %arg6[%multiple_of3A, %dma_wait3A_26] : memref<163840x16xf32, #tpu.memory_space<hbm>> -> memref<128x16xf32, #tpu.memory_space<hbm>>
        %dma_wait3A_28 = arith.constant 0 : i32
        %dma_wait3A_29 = tpu.memref_slice %arg6[%multiple_of3A, %dma_wait3A_28] : memref<163840x16xf32, #tpu.memory_space<hbm>> -> memref<128x16xf32, #tpu.memory_space<hbm>>
        tpu.wait_dma2 semaphore(%run_scoped3A : memref<!tpu.dma_semaphore, #tpu.memory_space<semaphore_mem>>) src(%arg9 : memref<128x16xf32, #tpu.memory_space<vmem>>) dst(%dma_wait3A_29 : memref<128x16xf32, #tpu.memory_space<hbm>>)
        tpu.yield
      }) : () -> ()
    }
    %scan3A_5 = arith.constant 40 : i32
    return
  }
}

module attributes {stable_mosaic.version = 14 : i64} {
  func.func @_tc_body(%arg0: i32, %arg1: memref<512x128xf32, #tpu.memory_space<vmem>>, %arg2: memref<5120x16xf32, #tpu.memory_space<vmem>>, %arg3: memref<5120x128xf32, #tpu.memory_space<vmem>>, %arg4: memref<5120x128xf32, #tpu.memory_space<vmem>>, %arg5: memref<128x128xf32, #tpu.memory_space<vmem>>, %arg6: memref<16x128xf32, #tpu.memory_space<vmem>>, %arg7: memref<128x128xf32, #tpu.memory_space<vmem>>, %arg8: memref<128x128xf32, #tpu.memory_space<vmem>>, %arg9: memref<128x128xf32, #tpu.memory_space<vmem>>, %arg10: memref<128x128xf32, #tpu.memory_space<vmem>>, %arg11: memref<128x128xf32, #tpu.memory_space<vmem>>, %arg12: memref<128x128xf32, #tpu.memory_space<vmem>>, %arg13: memref<512x256xf32, #tpu.memory_space<vmem>>) attributes {dimension_semantics = [#tpu.dimension_semantics<arbitrary>], iteration_bounds = array<i64: 32>, scalar_prefetch = 0 : i64, scratch_operands = 0 : i64, tpu.core_type = #tpu.core_type<tc>, window_params = [{transform_indices = @transform_0, window_bounds = array<i64: 512, 128>}, {transform_indices = @transform_1, window_bounds = array<i64: 5120, 16>}, {transform_indices = @transform_2, window_bounds = array<i64: 5120, 128>}, {transform_indices = @transform_3, window_bounds = array<i64: 5120, 128>}, {pipeline_mode = #tpu.pipeline_mode<synchronous>, transform_indices = @transform_4, window_bounds = array<i64: 128, 128>}, {pipeline_mode = #tpu.pipeline_mode<synchronous>, transform_indices = @transform_5, window_bounds = array<i64: 16, 128>}, {pipeline_mode = #tpu.pipeline_mode<synchronous>, transform_indices = @transform_6, window_bounds = array<i64: 128, 128>}, {pipeline_mode = #tpu.pipeline_mode<synchronous>, transform_indices = @transform_7, window_bounds = array<i64: 128, 128>}, {pipeline_mode = #tpu.pipeline_mode<synchronous>, transform_indices = @transform_8, window_bounds = array<i64: 128, 128>}, {pipeline_mode = #tpu.pipeline_mode<synchronous>, transform_indices = @transform_9, window_bounds = array<i64: 128, 128>}, {pipeline_mode = #tpu.pipeline_mode<synchronous>, transform_indices = @transform_10, window_bounds = array<i64: 128, 128>}, {pipeline_mode = #tpu.pipeline_mode<synchronous>, transform_indices = @transform_11, window_bounds = array<i64: 128, 128>}, {transform_indices = @transform_12, window_bounds = array<i64: 512, 256>}]} {
    %get3A = arith.constant 0 : index
    %get3A_0 = arith.constant 0 : index
    %get3A_1 = vector.load %arg5[%get3A, %get3A_0] : memref<128x128xf32, #tpu.memory_space<vmem>>, vector<128x128xf32>
    %get3A_2 = arith.constant 0 : index
    %get3A_3 = arith.constant 0 : index
    %get3A_4 = vector.load %arg6[%get3A_2, %get3A_3] : memref<16x128xf32, #tpu.memory_space<vmem>>, vector<16x128xf32>
    %get3A_5 = arith.constant 0 : index
    %get3A_6 = arith.constant 0 : index
    %get3A_7 = vector.load %arg7[%get3A_5, %get3A_6] : memref<128x128xf32, #tpu.memory_space<vmem>>, vector<128x128xf32>
    %dot_general3A = arith.constant dense<0.000000e+00> : vector<128x128xf32>
    %dot_general3A_8 = tpu.matmul %get3A_1, %get3A_7, %dot_general3A {dimension_numbers = #tpu.dot_dimension_numbers<[1], [0], [0], [1], [0, 0, 1, 1], [], []>, transpose_lhs_hint = false} : vector<128x128xf32>, vector<128x128xf32>, vector<128x128xf32> -> vector<128x128xf32>
    %get3A_9 = arith.constant 0 : index
    %get3A_10 = arith.constant 0 : index
    %get3A_11 = vector.load %arg8[%get3A_9, %get3A_10] : memref<128x128xf32, #tpu.memory_space<vmem>>, vector<128x128xf32>
    %dot_general3A_12 = arith.constant dense<0.000000e+00> : vector<16x128xf32>
    %dot_general3A_13 = tpu.matmul %get3A_4, %get3A_11, %dot_general3A_12 {dimension_numbers = #tpu.dot_dimension_numbers<[1], [0], [0], [1], [0, 0, 1, 1], [], []>, transpose_lhs_hint = false} : vector<16x128xf32>, vector<128x128xf32>, vector<16x128xf32> -> vector<16x128xf32>
    %get3A_14 = arith.constant 0 : index
    %get3A_15 = arith.constant 0 : index
    %get3A_16 = vector.load %arg9[%get3A_14, %get3A_15] : memref<128x128xf32, #tpu.memory_space<vmem>>, vector<128x128xf32>
    %dot_general3A_17 = arith.constant dense<0.000000e+00> : vector<16x128xf32>
    %dot_general3A_18 = tpu.matmul %get3A_4, %get3A_16, %dot_general3A_17 {dimension_numbers = #tpu.dot_dimension_numbers<[1], [0], [0], [1], [0, 0, 1, 1], [], []>, transpose_lhs_hint = false} : vector<16x128xf32>, vector<128x128xf32>, vector<16x128xf32> -> vector<16x128xf32>
    %get3A_19 = arith.constant 0 : index
    %get3A_20 = arith.constant 0 : index
    %get3A_21 = vector.load %arg10[%get3A_19, %get3A_20] : memref<128x128xf32, #tpu.memory_space<vmem>>, vector<128x128xf32>
    %dot_general3A_22 = arith.constant dense<0.000000e+00> : vector<128x128xf32>
    %dot_general3A_23 = tpu.matmul %get3A_1, %get3A_21, %dot_general3A_22 {dimension_numbers = #tpu.dot_dimension_numbers<[1], [0], [0], [1], [0, 0, 1, 1], [], []>, transpose_lhs_hint = false} : vector<128x128xf32>, vector<128x128xf32>, vector<128x128xf32> -> vector<128x128xf32>
    %mul3A = arith.constant 5.000000e-01 : f32
    %mul3A_24 = vector.broadcast %mul3A : f32 to vector<128x128xf32>
    %mul3A_25 = arith.mulf %dot_general3A_23, %mul3A_24 : vector<128x128xf32>
    %get3A_26 = arith.constant 0 : index
    %get3A_27 = arith.constant 0 : index
    %get3A_28 = vector.load %arg1[%get3A_26, %get3A_27] : memref<512x128xf32, #tpu.memory_space<vmem>>, vector<512x128xf32>
    %get3A_29 = arith.constant 0 : index
    %get3A_30 = arith.constant 0 : index
    %get3A_31 = vector.load %arg2[%get3A_29, %get3A_30] : memref<5120x16xf32, #tpu.memory_space<vmem>>, vector<5120x16xf32>
    %get3A_32 = arith.constant 0 : index
    %get3A_33 = arith.constant 0 : index
    %get3A_34 = vector.load %arg3[%get3A_32, %get3A_33] : memref<5120x128xf32, #tpu.memory_space<vmem>>, vector<5120x128xf32>
    %get3A_35 = arith.constant 0 : index
    %get3A_36 = arith.constant 0 : index
    %get3A_37 = vector.load %arg4[%get3A_35, %get3A_36] : memref<5120x128xf32, #tpu.memory_space<vmem>>, vector<5120x128xf32>
    %add3A = arith.addf %get3A_34, %get3A_37 : vector<5120x128xf32>
    %dot_general3A_38 = arith.constant dense<0.000000e+00> : vector<5120x128xf32>
    %dot_general3A_39 = tpu.matmul %get3A_31, %dot_general3A_18, %dot_general3A_38 {dimension_numbers = #tpu.dot_dimension_numbers<[1], [0], [0], [1], [0, 0, 1, 1], [], []>, transpose_lhs_hint = false} : vector<5120x16xf32>, vector<16x128xf32>, vector<5120x128xf32> -> vector<5120x128xf32>
    %dot_general3A_40 = arith.constant dense<0.000000e+00> : vector<5120x128xf32>
    %dot_general3A_41 = tpu.matmul %add3A, %mul3A_25, %dot_general3A_40 {dimension_numbers = #tpu.dot_dimension_numbers<[1], [0], [0], [1], [0, 0, 1, 1], [], []>, transpose_lhs_hint = false} : vector<5120x128xf32>, vector<128x128xf32>, vector<5120x128xf32> -> vector<5120x128xf32>
    %add3A_42 = arith.addf %dot_general3A_39, %dot_general3A_41 : vector<5120x128xf32>
    %max3A = arith.constant 0.000000e+00 : f32
    %max3A_43 = vector.broadcast %max3A : f32 to vector<5120x128xf32>
    %max3A_44 = arith.maximumf %add3A_42, %max3A_43 : vector<5120x128xf32>
    %reshape3A = vector.shape_cast %get3A_31 : vector<5120x16xf32> to vector<512x10x16xf32>
    %reduce_sum3A = arith.constant dense<0.000000e+00> : vector<512x16xf32>
    %reduce_sum3A_45 = vector.multi_reduction <add>, %reshape3A, %reduce_sum3A [1] : vector<512x10x16xf32> to vector<512x16xf32>
    %div3A = arith.constant 1.000000e+01 : f32
    %div3A_46 = vector.broadcast %div3A : f32 to vector<512x16xf32>
    %div3A_47 = arith.divf %reduce_sum3A_45, %div3A_46 : vector<512x16xf32>
    %dot_general3A_48 = arith.constant dense<0.000000e+00> : vector<512x128xf32>
    %dot_general3A_49 = tpu.matmul %get3A_28, %dot_general3A_8, %dot_general3A_48 {dimension_numbers = #tpu.dot_dimension_numbers<[1], [0], [0], [1], [0, 0, 1, 1], [], []>, transpose_lhs_hint = false} : vector<512x128xf32>, vector<128x128xf32>, vector<512x128xf32> -> vector<512x128xf32>
    %dot_general3A_50 = arith.constant dense<0.000000e+00> : vector<512x128xf32>
    %dot_general3A_51 = tpu.matmul %div3A_47, %dot_general3A_13, %dot_general3A_50 {dimension_numbers = #tpu.dot_dimension_numbers<[1], [0], [0], [1], [0, 0, 1, 1], [], []>, transpose_lhs_hint = false} : vector<512x16xf32>, vector<16x128xf32>, vector<512x128xf32> -> vector<512x128xf32>
    %add3A_52 = arith.addf %dot_general3A_49, %dot_general3A_51 : vector<512x128xf32>
    %max3A_53 = arith.constant 0.000000e+00 : f32
    %max3A_54 = vector.broadcast %max3A_53 : f32 to vector<512x128xf32>
    %max3A_55 = arith.maximumf %add3A_52, %max3A_54 : vector<512x128xf32>
    %reshape3A_56 = vector.shape_cast %max3A_44 : vector<5120x128xf32> to vector<512x10x128xf32>
    %reduce_sum3A_57 = arith.constant dense<0.000000e+00> : vector<512x128xf32>
    %reduce_sum3A_58 = vector.multi_reduction <add>, %reshape3A_56, %reduce_sum3A_57 [1] : vector<512x10x128xf32> to vector<512x128xf32>
    %div3A_59 = arith.constant 1.000000e+01 : f32
    %div3A_60 = vector.broadcast %div3A_59 : f32 to vector<512x128xf32>
    %div3A_61 = arith.divf %reduce_sum3A_58, %div3A_60 : vector<512x128xf32>
    %get3A_62 = arith.constant 0 : index
    %get3A_63 = arith.constant 0 : index
    %get3A_64 = vector.load %arg11[%get3A_62, %get3A_63] : memref<128x128xf32, #tpu.memory_space<vmem>>, vector<128x128xf32>
    %dot_general3A_65 = arith.constant dense<0.000000e+00> : vector<512x128xf32>
    %dot_general3A_66 = tpu.matmul %max3A_55, %get3A_64, %dot_general3A_65 {dimension_numbers = #tpu.dot_dimension_numbers<[1], [0], [0], [1], [0, 0, 1, 1], [], []>, transpose_lhs_hint = false} : vector<512x128xf32>, vector<128x128xf32>, vector<512x128xf32> -> vector<512x128xf32>
    %get3A_67 = arith.constant 0 : index
    %get3A_68 = arith.constant 0 : index
    %get3A_69 = vector.load %arg12[%get3A_67, %get3A_68] : memref<128x128xf32, #tpu.memory_space<vmem>>, vector<128x128xf32>
    %dot_general3A_70 = arith.constant dense<0.000000e+00> : vector<512x128xf32>
    %dot_general3A_71 = tpu.matmul %div3A_61, %get3A_69, %dot_general3A_70 {dimension_numbers = #tpu.dot_dimension_numbers<[1], [0], [0], [1], [0, 0, 1, 1], [], []>, transpose_lhs_hint = false} : vector<512x128xf32>, vector<128x128xf32>, vector<512x128xf32> -> vector<512x128xf32>
    %add3A_72 = arith.addf %dot_general3A_66, %dot_general3A_71 : vector<512x128xf32>
    %max3A_73 = arith.constant 0.000000e+00 : f32
    %max3A_74 = vector.broadcast %max3A_73 : f32 to vector<512x128xf32>
    %max3A_75 = arith.maximumf %add3A_72, %max3A_74 : vector<512x128xf32>
    %swap3A = arith.constant 0 : index
    %swap3A_76 = arith.constant 0 : index
    %swap3A_77 = vector.load %arg13[%swap3A, %swap3A_76] : memref<512x256xf32, #tpu.memory_space<vmem>>, vector<512x128xf32>
    tpu.vector_store %arg13[%swap3A, %swap3A_76], %max3A_55 {strides = array<i32>} : memref<512x256xf32, #tpu.memory_space<vmem>>, vector<512x128xf32>,
    %swap3A_78 = arith.constant 0 : index
    %swap3A_79 = arith.constant 128 : index
    %swap3A_80 = vector.load %arg13[%swap3A_78, %swap3A_79] : memref<512x256xf32, #tpu.memory_space<vmem>>, vector<512x128xf32>
    tpu.vector_store %arg13[%swap3A_78, %swap3A_79], %max3A_75 {strides = array<i32>} : memref<512x256xf32, #tpu.memory_space<vmem>>, vector<512x128xf32>,
    return
  }
  func.func @transform_0(%arg0: i32) -> (i32, i32) {
    %c0_i32 = arith.constant 0 : i32
    %c0_i32_0 = arith.constant 0 : i32
    return %arg0, %c0_i32 : i32, i32
  }
  func.func @transform_1(%arg0: i32) -> (i32, i32) {
    %c0_i32 = arith.constant 0 : i32
    %c0_i32_0 = arith.constant 0 : i32
    return %arg0, %c0_i32 : i32, i32
  }
  func.func @transform_2(%arg0: i32) -> (i32, i32) {
    %c0_i32 = arith.constant 0 : i32
    %c0_i32_0 = arith.constant 0 : i32
    return %arg0, %c0_i32 : i32, i32
  }
  func.func @transform_3(%arg0: i32) -> (i32, i32) {
    %c0_i32 = arith.constant 0 : i32
    %c0_i32_0 = arith.constant 0 : i32
    return %arg0, %c0_i32 : i32, i32
  }
  func.func @transform_4(%arg0: i32) -> (i32, i32) {
    %c0_i32 = arith.constant 0 : i32
    %c0_i32_0 = arith.constant 0 : i32
    %c0_i32_1 = arith.constant 0 : i32
    return %c0_i32, %c0_i32_0 : i32, i32
  }
  func.func @transform_5(%arg0: i32) -> (i32, i32) {
    %c0_i32 = arith.constant 0 : i32
    %c0_i32_0 = arith.constant 0 : i32
    %c0_i32_1 = arith.constant 0 : i32
    return %c0_i32, %c0_i32_0 : i32, i32
  }
  func.func @transform_6(%arg0: i32) -> (i32, i32) {
    %c0_i32 = arith.constant 0 : i32
    %c0_i32_0 = arith.constant 0 : i32
    %c0_i32_1 = arith.constant 0 : i32
    return %c0_i32, %c0_i32_0 : i32, i32
  }
  func.func @transform_7(%arg0: i32) -> (i32, i32) {
    %c0_i32 = arith.constant 0 : i32
    %c0_i32_0 = arith.constant 0 : i32
    %c0_i32_1 = arith.constant 0 : i32
    return %c0_i32, %c0_i32_0 : i32, i32
  }
  func.func @transform_8(%arg0: i32) -> (i32, i32) {
    %c0_i32 = arith.constant 0 : i32
    %c0_i32_0 = arith.constant 0 : i32
    %c0_i32_1 = arith.constant 0 : i32
    return %c0_i32, %c0_i32_0 : i32, i32
  }
  func.func @transform_9(%arg0: i32) -> (i32, i32) {
    %c0_i32 = arith.constant 0 : i32
    %c0_i32_0 = arith.constant 0 : i32
    %c0_i32_1 = arith.constant 0 : i32
    return %c0_i32, %c0_i32_0 : i32, i32
  }
  func.func @transform_10(%arg0: i32) -> (i32, i32) {
    %c0_i32 = arith.constant 0 : i32
    %c0_i32_0 = arith.constant 0 : i32
    %c0_i32_1 = arith.constant 0 : i32
    return %c0_i32, %c0_i32_0 : i32, i32
  }
  func.func @transform_11(%arg0: i32) -> (i32, i32) {
    %c0_i32 = arith.constant 0 : i32
    %c0_i32_0 = arith.constant 0 : i32
    %c0_i32_1 = arith.constant 0 : i32
    return %c0_i32, %c0_i32_0 : i32, i32
  }
  func.func @transform_12(%arg0: i32) -> (i32, i32) {
    %c0_i32 = arith.constant 0 : i32
    %c0_i32_0 = arith.constant 0 : i32
    return %arg0, %c0_i32 : i32, i32
  }
}

</mosaic_0001>

<sc_bundles>
// kernel: kernel.12.cloned.1.call-start
scs
__scs_entry_jumppad:
0x0: {  	(pc) =	sbr.rel $0x88, $3  }
0x1: {  	(tag) =	ssettag $0x0;
	lr =	simm.s32 $0x1  }
0x2: {  	[smem:$0x3F94] =	sst lr;
	_ =	strace $0xD0000000  }
0x3: {  	_ = 	snop  }
0x4: {  	_ = 	snop  }
0x5: {  	_ = 	snop  }
0x6: {  	_ = 	snop  }
0x7: {  	_ = 	snop  }
__scs_overlays_trampoline_lowered:
0x8: {  	[smem:$0x3FA3] =	sst s0  }
0x9: {  	[smem:$0x3FA4] =	sst s1  }
0xa: {  	[smem:$0x3FA5] =	sst s2  }
0xb: {  	[smem:$0x3FA6] =	sst s3  }
0xc: {  	[smem:$0x3FA7] =	sst s4  }
0xd: {  	[smem:$0x3FA8] =	sst s5  }
0xe: {  	[smem:$0x3FA9] =	sst s6  }
0xf: {  	[smem:$0x3FAA] =	sst s7  }
0x10: {  	[smem:$0x3FAB] =	sst s8  }
0x11: {  	[smem:$0x3FAC] =	sst s9;
	s0 =	simm.s32 @!p0 $0x0  }
0x12: {  	s1 =	sld [smem:$0x3F92];
	s0 =	simm.s32 @p0 $0x1  }
0x13: {  	[smem:$0x3FAD] =	sst s0;
	s0 =	simm.s32 @!p1 $0x0  }
0x14: {  	s2 =	sld [smem:$0x3F91];
	s0 =	simm.s32 @p1 $0x1  }
0x15: {  	[smem:$0x3FAE] =	sst s0;
	s0 =	simm.s32 @!p2 $0x0  }
0x16: {  	s3 =	sld [smem:$0x3FDB];
	s0 =	simm.s32 @p2 $0x1  }
0x17: {  	s4 =	simm.s32 $0x1BF5;
	[smem:$0x3FB0] =	sst s0  }
0x18: {  	s0 =	sld [smem:$0x3F93];
	_ =	swait.ge [sflag:s4], $0x0  }
0x19: {  	s7 =	sld [smem:$0x3F94]  }
0x1a: {  	s8 =	sadd.s32 $0xFFFFE003, lr  }
0x1b: {  	s9 =	sadd.s32 $0xFFFFFEF7, lr;
	s5 =	simm.s32 $0xFFFFFFFF;
	p2 =	slt.u32 s8, $0xFFFFF086  }
0x1c: {  	p1 =	slt.u32 s9, $0xF7A;
	s5 =	simm.s32 @!p2 $0x0  }
0x1d: {  	s5 =	simm.s32 @p1 $0x1;
	p0 =	seq.s32 s7, s2  }
0x1e: {  	s7 =	smul.u32 @!p0 $0xF7A, s2;
	p2 =	seq.s32 @!p0 s5, $0x0  }
0x1f: {  	s9 =	smul.u32 $0xF7A, s1;
	s8 =	simm.s32 @!p0 $0x1BF5;
	p2 =	por !p2, p0  }
0x20: {  	[sflag:s8] =	ssyncset.s32 @!p0 $0xFFFFF086;
	s6 =	sadd.s32 @!p0 s3, s7;
	s7 =	simm.s32 @!p0 $0x108  }
0x21: {  	s3 =	sadd.s32 s3, s9;
	s6 =	sadd.s32 @!p0 $0x88, s6;
	s7 =	simm.s32 @p2 $0x1082  }
0x22: {  	[simem:s7], [sflag:s8] =	dma.local @!p0 [hbm:s6], $0xF7A  }
0x23: {  	s9 =	sor.u32 $0xD0000000, s2;
	s6 =	simm.s32 $0x108;
	_ =	swait.ge @!p0 [sflag:s8], $0x0  }
0x24: {  	s3 =	sadd.s32 $0x88, s3;
	s6 =	simm.s32 @!p1 $0x1082;
	[sflag:s4] =	ssyncset.s32 $0xFFFFF086  }
0x25: {  	[simem:s6], [sflag:s4] =	dma.local [hbm:s3], $0xF7A  }
0x26: {  	[smem:$0x3F94] =	sst s1;
	(tag) =	ssettag s2;
	_ =	strace s9  }
0x27: {  	s1 =	sld [smem:$0x3FA4]  }
0x28: {  	s2 =	sld [smem:$0x3FA5]  }
0x29: {  	s4 =	sld [smem:$0x3FA7]  }
0x2a: {  	p0 =	seq.s32 s5, $0x0;
	s5 =	sld [smem:$0x3FA8]  }
0x2b: {  	s6 =	sld [smem:$0x3FA9]  }
0x2c: {  	s7 =	sld [smem:$0x3FAA]  }
0x2d: {  	s3 =	simm.s32 $0x108;
	s8 =	sld [smem:$0x3FAB]  }
0x2e: {  	s3 =	simm.s32 @!p0 $0x1082;
	s9 =	sld [smem:$0x3FAC]  }
0x2f: {  	lr =	sadd.s32 s0, s3;
	s0 =	sld [smem:$0x3FA3]  }
0x30: {  	s3 =	sld [smem:$0x3FA6]  }
0x31: {  	[smem:$0x3FAF] =	sst s10  }
0x32: {  	s10 =	sld [smem:$0x3FAD];
	_ =	sdelay $0x3  }
0x33: {  	p0 =	seq.s32 s10, $0x1;
	s10 =	sld [smem:$0x3FAF];
	_ =	sdelay $0x3  }
0x34: {  	[smem:$0x3FAF] =	sst s10  }
0x35: {  	s10 =	sld [smem:$0x3FAE];
	_ =	sdelay $0x3  }
0x36: {  	p1 =	seq.s32 s10, $0x1;
	s10 =	sld [smem:$0x3FAF];
	_ =	sdelay $0x3  }
0x37: {  	[smem:$0x3FAF] =	sst s10  }
0x38: {  	s10 =	sld [smem:$0x3FB0]  }
0x39: {  	_ = 	snop;
	(pc) =	sbr.ind lr, $3  }
0x3a: {  	_ = 	snop  }
0x3b: {  	_ = 	snop  }
0x3c: {  	p2 =	seq.s32 s10, $0x1;
	s10 =	sld [smem:$0x3FAF]  }
0x3d: {  	_ =	shalt  }
0x3e: {  	_ =	shalt  }
0x3f: {  	_ =	shalt  }
0x40: {  	_ =	shalt  }
0x41: {  	_ =	shalt  }
0x42: {  	_ =	shalt  }
0x43: {  	_ =	shalt  }
0x44: {  	_ =	shalt  }
0x45: {  	_ =	shalt  }
0x46: {  	_ =	shalt  }
0x47: {  	_ =	shalt  }
0x48: {  	_ =	shalt  }
0x49: {  	_ =	shalt  }
0x4a: {  	_ =	shalt  }
0x4b: {  	_ =	shalt  }
0x4c: {  	_ =	shalt  }
0x4d: {  	_ =	shalt  }
0x4e: {  	_ =	shalt  }
0x4f: {  	_ =	shalt  }
0x50: {  	_ =	shalt  }
0x51: {  	_ =	shalt  }
0x52: {  	_ =	shalt  }
0x53: {  	_ =	shalt  }
0x54: {  	_ =	shalt  }
0x55: {  	_ =	shalt  }
0x56: {  	_ =	shalt  }
0x57: {  	_ =	shalt  }
0x58: {  	_ =	shalt  }
0x59: {  	_ =	shalt  }
0x5a: {  	_ =	shalt  }
0x5b: {  	_ =	shalt  }
0x5c: {  	_ =	shalt  }
0x5d: {  	_ =	shalt  }
0x5e: {  	_ =	shalt  }
0x5f: {  	_ =	shalt  }
0x60: {  	_ =	shalt  }
0x61: {  	_ =	shalt  }
0x62: {  	_ =	shalt  }
0x63: {  	_ =	shalt  }
0x64: {  	_ =	shalt  }
0x65: {  	_ =	shalt  }
0x66: {  	_ =	shalt  }
0x67: {  	_ =	shalt  }
0x68: {  	_ =	shalt  }
0x69: {  	_ =	shalt  }
0x6a: {  	_ =	shalt  }
0x6b: {  	_ =	shalt  }
0x6c: {  	_ =	shalt  }
0x6d: {  	_ =	shalt  }
0x6e: {  	_ =	shalt  }
0x6f: {  	_ =	shalt  }
0x70: {  	_ =	shalt  }
0x71: {  	_ =	shalt  }
0x72: {  	_ =	shalt  }
0x73: {  	_ =	shalt  }
0x74: {  	_ =	shalt  }
0x75: {  	_ =	shalt  }
0x76: {  	_ =	shalt  }
0x77: {  	_ =	shalt  }
0x78: {  	_ =	shalt  }
0x79: {  	_ =	shalt  }
0x7a: {  	_ =	shalt  }
0x7b: {  	_ =	shalt  }
0x7c: {  	_ =	shalt  }
0x7d: {  	_ =	shalt  }
0x7e: {  	_ =	shalt  }
0x7f: {  	_ =	shalt  }
0x80: {  	_ =	shalt  }
0x81: {  	_ =	shalt  }
0x82: {  	_ =	shalt  }
0x83: {  	_ =	shalt  }
0x84: {  	_ =	shalt  }
0x85: {  	_ =	shalt  }
0x86: {  	_ =	shalt  }
0x87: {  	_ =	shalt  }
.Lfunc_end0:
.L_simem_size_0:
called_computation.2_lowered:
.L_overlay_start_0:
0x88: {  	s2 =	sld [smem:$0x3FD9]  }
0x89: {  	s3 =	sld [smem:$0x3FFE];
	_ =	sdelay $0x1  }
0x8a: {  	s1 =	srdreg.scid  }
0x8b: {  	s0 =	sand.u32 $0x1, s1  }
0x8c: {  	s17 =	sshll.u32 s0, $0xA;
	s2 =	sadd.s32 s3, s2  }
0x8d: {  	s2 =	sadd.s32 s2, s17  }
0x8e: {  	[smem:$0x3FBB] =	sst s2  }
0x8f: {  	_ = 	snop  }
0x90: {  	s2 =	sld [smem:$0x3FC9]  }
0x91: {  	s18 =	sld [smem:$0x3FC8]  }
0x92: {  	s4 =	sld [smem:$0x3FD0];
	(tm) =	ssettm $0x1  }
0x93: {  	s5 =	sld [smem:$0x3FFB];
	_ =	sdelay $0x3  }
0x94: {  	_ =	strace s5  }
0x95: {  	s5 =	sld [smem:$0x3FFC];
	_ =	sdelay $0x3  }
0x96: {  	_ =	strace s5  }
0x97: {  	s5 =	sld [smem:$0x3FFD];
	_ =	sdelay $0x3  }
0x98: {  	_ =	strace s5  }
0x99: {  	_ =	strace $0x8FFFFFFF  }
0x9a: {  	s19 =	sld [smem:$0x3FDB];
	_ =	sdelay $0x1  }
0x9b: {  	s6 =	simm.s32 $_scs_section_size  }
0x9c: {  	s7 =	simm.s32 $_size__tile_overlayer_lowered;
	s8 =	simm.s32 $_tile_overlayer_lowered  }
0x9d: {  	s22 =	simm.s32 $0x1BFF;
	s21 =	sshll.u32 s8, $0x1;
	s5 =	sadd.s32 s6, s19  }
0x9e: {  	s9 =	simm.s32 $0x0;
	s20 =	sshll.u32 s7, $0x1;
	s7 =	sadd.s32 s21, s5  }
0x9f: {  	[timem:s9], [sflag:s22] =	dma.local [hbm:s7], s20  }
0xa0: {  	_ =	swait.ge [sflag:s22], s20  }
0xa1: {  	s6 =	ssub.s32 $0x0, s20;
	[sflag:s22] =	ssyncset.done $0x0  }
0xa2: {  	[sflag:s22] =	ssyncadd.s32 s6;
	_ =	sdelay $0x1  }
0xa3: {  	s23 =	simm.s32 $0x1B8B  }
0xa4: {  	_ =	swait.ge [sflag:s23], $0x1  }
0xa5: {  	[sflag:s23] =	ssyncset.done $0x0  }
0xa6: {  	s25 =	simm.s32 $0x1B8E;
	s24 =	sld [smem:$0x3FFE];
	[sflag:s23] =	ssyncadd.s32 $0xFFFFFFFF  }
0xa7: {  	s26 =	simm.s32 $execute0_lowered;
	[smem:$0x3FD2] =	sst s25  }
0xa8: {  	s7 =	sshll.u32 s26, $0x1;
	_ =	strace $0x8000004C;
	[dreg:$0x1] =	wrdreg $0xFFFFFFFF  }
0xa9: {  	s28 =	simm.s32 $_size_execute0_lowered;
	s5 =	sadd.s32 s5, s7;
	[dreg:$0x0] =	wrdreg $0x0  }
0xaa: {  	s7 =	sshll.u32 s28, $0x1;
	[dreg:$0x2] =	wrdreg s5  }
0xab: {  	[dreg:$0x3] =	wrdreg s7  }
0xac: {  	[dreg:$0x4] =	wrdreg $0xC0  }
0xad: {  	_ =	task [dreg:s9], $0x5FFFF  }
0xae: {  	[dreg:$0x1] =	wrdreg $0xFFFFFFFF  }
0xaf: {  	[dreg:$0x0] =	wrdreg $0x60  }
0xb0: {  	[dreg:$0x2] =	wrdreg s18  }
0xb1: {  	[dreg:$0x3] =	wrdreg s24  }
0xb2: {  	[dreg:$0x4] =	wrdreg s2  }
0xb3: {  	[dreg:$0x5] =	wrdreg s4  }
0xb4: {  	[dreg:$0x6] =	wrdreg $0x9  }
0xb5: {  	_ =	task.clear_ibuf [dreg:s9], $0x7FFFF;
	_ =	strace $0x9000004C  }
0xb6: {  	s29 =	simm.s32 $0x9;
	_ =	strace $0x8000004E  }
0xb7: {  	_ =	swait.ge [sflag:s29], $0x1  }
0xb8: {  	[sflag:s29] =	ssyncadd.s32 $0xFFFFFFFF  }
0xb9: {  	_ =	strace $0x9000004E  }
0xba: {  	_ =	sfence  }
0xbb: {  	s30 =	sld [smem:$0x0];
	_ =	sdelay $0x2  }
0xbc: {  	s31 =	sshll.u32 s1, $0xD;
	s1 =	sshrl.u32 s1, $0x2  }
0xbd: {  	s3 =	sand.u32 $0x4000, s31;
	s1 =	sadd.s32 s1, s30  }
0xbe: {  	s0 =	sor.u32 s3, s0;
	s1 =	sshll.u32 s1, $0x11  }
0xbf: {  	s0 =	sor.u32 s1, s0  }
0xc0: {  	s0 =	sadd.s32 $0x8F2B, s0  }
0xc1: {  	[sflag:s0] =	ssyncadd.remote.s32 $0x1  }
0xc2: {  	_ =	sfence.sel $0xFFFF  }
0xc3: {  	[dreg:$0x0] =	wrdreg $0xFFFFFFFF;
	(pc) =	sbr.abs _section_cstart, $3  }
0xc4: {  	[dreg:$0x1] =	wrdreg $0xFFFFFFFF  }
0xc5: {  	_ =	task.clear_ibuf [dreg:s9], $0x2FFFF;
	_ =	strace $0x9FFFFFFF  }
0xc6: {  	(tm) =	ssettm $0x7FFFFFFF  }
0xc7: {  	_ =	shalt  }
tec
execute0_lowered:
.L_overlay_start_1:
0x0: {  	(tag) =	ssettag $0x1  }
0x1: {  	s1 =	rddreg [dreg:$0x0]  }
0x2: {  	s4 =	rddreg [dreg:$0x1]  }
0x3: {  	s11 =	rddreg [dreg:$0x2]  }
0x4: {  	s12 =	rddreg [dreg:$0x3]  }
0x5: {  	s0 =	rddreg [dreg:$0x4];
	s2 =	stileid.u32  }
0x6: {  	s3 =	simm.s32 $0x0;
	s6 =	srdreg.scid;
	s5 =	smul.u32 $0x500, s2  }
0x7: {  	[smem:$0x7FF] =	sst s3;
	s7 =	smul.u32 $0x28000, s2  }
0x8: {  	s9 =	sand.u32 $0x1, s6;
	s20 =	sshll.u32 s2, $0x1;
	_ =	strace $0x8000004D  }
0x9: {  	s21 =	ssub.s32 $0x2, s9;
	s6 =	sor.u32 s9, s20;
	s18 =	smul.u32 $0x14000, s9  }
0xa: {  	s19 =	smul.u32 $0x280, s9;
	s20 =	simm.s32 $0x0;
	s13 =	sadd.s32 s5, s4  }
0xb: {  	s14 =	sadd.s32 s7, s4;
	s22 =	sshrl.u32 s21, $0x1;
	s23 =	sshll.u32 s6, $0x6  }
0xc: {  	s10 =	sshll.u32 s6, $0x9;
	s6 =	sshll.u32 s6, $0xD;
	s5 =	ssub.s32 s21, s22  }
0xd: {  	s4 =	sadd.s32 s11, s23;
	s24 =	sor.u32 $0x80, s10;
	s6 =	sadd.s32 s12, s6  }
0xe: {  	s25 =	sor.u32 $0x100, s10;
	s17 =	sor.u32 $0x180, s10;
	s30 =	sadd.s32 s18, s14  }
0xf: {  	s31 =	sadd.s32 s19, s13;
	s18 =	simm.s32 $0x80;
	s19 =	simm.s32 $0x1  }
0x10: {  	s5 =	smax.u32 s5, $0x1;
	s8 =	sshrl.u32 s24, $0x3;
	s15 =	sshll.u32 s24, $0x4  }
0x11: {  	s16 =	sshrl.u32 s25, $0x3;
	s26 =	sshll.u32 s25, $0x4;
	s28 =	sshrl.u32 s17, $0x3  }
0x12: {  	s29 =	sshll.u32 s17, $0x4;
	s13 =	sadd.s32 $0xF9A00, s30;
	s14 =	sadd.s32 $0x8600, s31  }
0x13: {  	s17 =	simm.s32 $0x2;
	s7 =	sadd.s32 s11, s8;
	s8 =	sadd.s32 s12, s15  }
0x14: {  	s9 =	sadd.s32 s11, s16;
	s10 =	sadd.s32 s12, s26;
	s11 =	sadd.s32 s11, s28  }
0x15: {  	s12 =	sadd.s32 s12, s29;
	s15 =	sadd.s32 $0x379A00, s30;
	s16 =	sadd.s32 $0x3600, s31  }
.LBB2_1:
0x16: {  	s21 =	sadd.s32 $0x0, s14  }
0x17: {  	[tilespmem:s3], [sflag:$0x2] =	stream.linear.gather [hbm4b:s21+s3], $0x80, $0x38;
	[tilespmem:$0x4080] =	vst v63  }
0x18: {  	_ =	swait.ge [sflag:s17], $0x80  }
0x19: {  	[sflag:s17] =	ssyncset.done $0x0  }
0x1a: {  	[sflag:s17] =	ssyncadd.s32 $0xFFFFFF80  }
0x1b: {  	[tilespmem:s18], [sflag:$0x1] =	stream.indirect.gather [hbm4b:s1+s18], $0x80, s3, s18, $0xb8;
	[tilespmem:$0x4080] =	vst v63  }
0x1c: {  	_ =	swait.ge [sflag:s19], $0x4000  }
0x1d: {  	[sflag:s19] =	ssyncset.done $0x0  }
0x1e: {  	[sflag:s19] =	ssyncadd.s32 $0xFFFFC000  }
0x1f: {  	[hbm4b:s13+s3] =	stream.linear.scatter [tilespmem:s18], [sflag:$0x2], $0x4000, $0x38;
	[tilespmem:$0x4080] =	vst v63  }
0x20: {  	s24 =	sadd.s32 $0x10, s14;
	_ =	swait.ge [sflag:s17], $0x4000  }
0x21: {  	s23 =	simm.s32 $0x20;
	s22 =	sadd.s32 $0x800, s13;
	[sflag:s17] =	ssyncset.done $0x0  }
.LBB2_2:
0x22: {  	s25 =	sadd.s32 s23, s14;
	s21 =	simm.s32 $0x0;
	[sflag:s17] =	ssyncadd.s32 $0xFFFFC000  }
0x23: {  	[tilespmem:s21], [sflag:$0x2] =	stream.linear.gather [hbm4b:s24+s21], $0x80, $0x38;
	[tilespmem:$0x4080] =	vst v63  }
0x24: {  	p0 =	seq.s32 s23, $0x270;
	s23 =	sadd.s32 $0x10, s23;
	_ =	swait.ge [sflag:s17], $0x80  }
0x25: {  	s24 =	smov.u32 s25;
	[sflag:s17] =	ssyncset.done $0x0  }
0x26: {  	[sflag:s17] =	ssyncadd.s32 $0xFFFFFF80  }
0x27: {  	[tilespmem:s18], [sflag:$0x1] =	stream.indirect.gather [hbm4b:s1+s18], $0x80, s21, s18, $0xb8;
	[tilespmem:$0x4080] =	vst v63  }
0x28: {  	_ =	swait.ge [sflag:s19], $0x4000  }
.Ltmp0:
0x29: {  	[sflag:s19] =	ssyncset.done $0x0;
	(pc) =	sbr.rel @!p0 .LBB2_2-.Ltmp0, $4  }
0x2a: {  	[sflag:s19] =	ssyncadd.s32 $0xFFFFC000  }
0x2b: {  	[hbm4b:s22+s21] =	stream.linear.scatter [tilespmem:s18], [sflag:$0x2], $0x4000, $0x38;
	[tilespmem:$0x4080] =	vst v63  }
0x2c: {  	_ =	swait.ge [sflag:s17], $0x4000  }
0x2d: {  	s22 =	sadd.s32 $0x800, s22;
	[sflag:s17] =	ssyncset.done $0x0  }
0x2e: {  	[sflag:s17] =	ssyncadd.s32 $0xFFFFC000  }
0x2f: {  	[tilespmem:s21], [sflag:$0x2] =	stream.linear.gather [hbm4b:s24+s21], $0x80, $0x38;
	[tilespmem:$0x4080] =	vst v63  }
0x30: {  	_ =	swait.ge [sflag:s17], $0x80  }
0x31: {  	[sflag:s17] =	ssyncset.done $0x0  }
0x32: {  	[sflag:s17] =	ssyncadd.s32 $0xFFFFFF80  }
0x33: {  	[tilespmem:s18], [sflag:$0x1] =	stream.indirect.gather [hbm4b:s1+s18], $0x80, s21, s18, $0xb8;
	[tilespmem:$0x4080] =	vst v63  }
0x34: {  	_ =	swait.ge [sflag:s19], $0x4000  }
0x35: {  	p1 =	por $0x0, $0x0;
	[sflag:s19] =	ssyncset.done $0x0  }
.Ltmp1:
0x36: {  	[sflag:s19] =	ssyncadd.s32 $0xFFFFC000;
	(pc) =	sbr.rel @p1 .LBB2_8-.Ltmp1, $4  }
0x37: {  	[hbm4b:s22+s21] =	stream.linear.scatter [tilespmem:s18], [sflag:$0x2], $0x4000, $0x38;
	[tilespmem:$0x4080] =	vst v63  }
0x38: {  	_ =	swait.ge [sflag:s17], $0x4000  }
0x39: {  	p0 =	por $0x0, $0x0;
	[sflag:s17] =	ssyncset.done $0x0  }
0x3a: {  	s23 =	smov.u32 s15;
	s22 =	simm.s32 $0x10;
	[sflag:s17] =	ssyncadd.s32 $0xFFFFC000  }
0x3b: {  	s21 =	sadd.s32 $0x0, s16  }
0x3c: {  	[tilespmem:s3], [sflag:$0x2] =	stream.linear.gather [hbm4b:s21+s3], $0x80, $0x38;
	[tilespmem:$0x4080] =	vst v63  }
0x3d: {  	_ =	swait.ge [sflag:s17], $0x80  }
0x3e: {  	[sflag:s17] =	ssyncset.done $0x0  }
0x3f: {  	[sflag:s17] =	ssyncadd.s32 $0xFFFFFF80  }
0x40: {  	[tilespmem:s18], [sflag:$0x1] =	stream.indirect.gather [hbm4b:s1+s18], $0x80, s3, s18, $0xb8;
	[tilespmem:$0x4080] =	vst v63  }
0x41: {  	p1 =	por $0x0, $0x0;
	_ =	swait.ge [sflag:s19], $0x4000  }
.Ltmp2:
0x42: {  	[sflag:s19] =	ssyncset.done $0x0;
	(pc) =	sbr.rel @p1 .LBB2_5-.Ltmp2, $4  }
0x43: {  	[sflag:s19] =	ssyncadd.s32 $0xFFFFC000  }
0x44: {  	[hbm4b:s15+s3] =	stream.linear.scatter [tilespmem:s18], [sflag:$0x2], $0x4000, $0x38;
	[tilespmem:$0x4080] =	vst v63  }
0x45: {  	s23 =	sadd.s32 $0x800, s15;
	_ =	swait.ge [sflag:s17], $0x4000  }
0x46: {  	p0 =	por $0x1, $0x1;
	s21 =	simm.s32 $0x20;
	[sflag:s17] =	ssyncset.done $0x0  }
.LBB2_6:
0x47: {  	s24 =	sadd.s32 s22, s16  }
0x48: {  	[sflag:s17] =	ssyncadd.s32 $0xFFFFC000;
	s22 =	smov.u32 s21;
	s25 =	sadd.s32 $0x10, s21  }
0x49: {  	[tilespmem:s3], [sflag:$0x2] =	stream.linear.gather [hbm4b:s24+s3], $0x80, $0x38;
	[tilespmem:$0x4080] =	vst v63  }
0x4a: {  	p1 =	seq.s32 s21, $0x270;
	_ =	swait.ge [sflag:s17], $0x80  }
0x4b: {  	[sflag:s17] =	ssyncset.done $0x0  }
0x4c: {  	[sflag:s17] =	ssyncadd.s32 $0xFFFFFF80  }
0x4d: {  	[tilespmem:s18], [sflag:$0x1] =	stream.indirect.gather [hbm4b:s1+s18], $0x80, s3, s18, $0xb8;
	[tilespmem:$0x4080] =	vst v63  }
0x4e: {  	_ =	swait.ge [sflag:s19], $0x4000  }
.Ltmp3:
0x4f: {  	[sflag:s19] =	ssyncset.done $0x0;
	(pc) =	sbr.rel @!p1 .LBB2_6-.Ltmp3, $4  }
0x50: {  	[sflag:s19] =	ssyncadd.s32 $0xFFFFC000  }
0x51: {  	[hbm4b:s23+s3] =	stream.linear.scatter [tilespmem:s18], [sflag:$0x2], $0x4000, $0x38;
	[tilespmem:$0x4080] =	vst v63  }
0x52: {  	_ =	swait.ge [sflag:s17], $0x4000  }
0x53: {  	s21 =	smov.u32 s25;
	s23 =	sadd.s32 $0x800, s23;
	[sflag:s17] =	ssyncset.done $0x0  }
0x54: {  	s21 =	smov.u32 s22  }
.LBB2_8:
0x55: {  	s21 =	sadd.s32 s21, s16;
	[sflag:s17] =	ssyncadd.s32 @p0 $0xFFFFC000  }
0x56: {  	[tilespmem:s3], [sflag:$0x2] =	stream.linear.gather [hbm4b:s21+s3], $0x80, $0x38;
	[tilespmem:$0x4080] =	vst v63  }
0x57: {  	_ =	swait.ge [sflag:s17], $0x80  }
0x58: {  	[sflag:s17] =	ssyncset.done $0x0  }
0x59: {  	[sflag:s17] =	ssyncadd.s32 $0xFFFFFF80  }
0x5a: {  	[tilespmem:s18], [sflag:$0x1] =	stream.indirect.gather [hbm4b:s1+s18], $0x80, s3, s18, $0xb8;
	[tilespmem:$0x4080] =	vst v63  }
0x5b: {  	_ =	swait.ge [sflag:s19], $0x4000  }
0x5c: {  	[sflag:s19] =	ssyncset.done $0x0  }
0x5d: {  	[sflag:s19] =	ssyncadd.s32 $0xFFFFC000  }
0x5e: {  	[hbm4b:s23+s3] =	stream.linear.scatter [tilespmem:s18], [sflag:$0x2], $0x4000, $0x38;
	[tilespmem:$0x4080] =	vst v63  }
0x5f: {  	_ =	swait.ge [sflag:s17], $0x4000  }
0x60: {  	[sflag:s17] =	ssyncset.done $0x0  }
0x61: {  	[sflag:s17] =	ssyncadd.s32 $0xFFFFC000  }
0x62: {  	[tilespmem:s3], [sflag:$0x2] =	stream.linear.gather [hbm4b:s4+s3], $0x80, $0x38;
	[tilespmem:$0x4080] =	vst v63  }
0x63: {  	_ =	swait.ge [sflag:s17], $0x80  }
0x64: {  	[sflag:s17] =	ssyncset.done $0x0  }
0x65: {  	[sflag:s17] =	ssyncadd.s32 $0xFFFFFF80  }
0x66: {  	[tilespmem:s18], [sflag:$0x1] =	stream.indirect.gather [hbm4b:s1+s18], $0x80, s3, s18, $0xb8;
	[tilespmem:$0x4080] =	vst v63  }
0x67: {  	_ =	swait.ge [sflag:s19], $0x4000  }
0x68: {  	[sflag:s19] =	ssyncset.done $0x0  }
0x69: {  	[sflag:s19] =	ssyncadd.s32 $0xFFFFC000  }
0x6a: {  	[hbm4b:s6+s3] =	stream.linear.scatter [tilespmem:s18], [sflag:$0x2], $0x4000, $0x38;
	[tilespmem:$0x4080] =	vst v63  }
0x6b: {  	_ =	swait.ge [sflag:s17], $0x4000  }
0x6c: {  	[sflag:s17] =	ssyncset.done $0x0  }
0x6d: {  	[sflag:s17] =	ssyncadd.s32 $0xFFFFC000  }
0x6e: {  	[tilespmem:s3], [sflag:$0x2] =	stream.linear.gather [hbm4b:s7+s3], $0x80, $0x38;
	[tilespmem:$0x4080] =	vst v63  }
0x6f: {  	_ =	swait.ge [sflag:s17], $0x80  }
0x70: {  	[sflag:s17] =	ssyncset.done $0x0  }
0x71: {  	[sflag:s17] =	ssyncadd.s32 $0xFFFFFF80  }
0x72: {  	[tilespmem:s18], [sflag:$0x1] =	stream.indirect.gather [hbm4b:s1+s18], $0x80, s3, s18, $0xb8;
	[tilespmem:$0x4080] =	vst v63  }
0x73: {  	_ =	swait.ge [sflag:s19], $0x4000  }
0x74: {  	[sflag:s19] =	ssyncset.done $0x0  }
0x75: {  	[sflag:s19] =	ssyncadd.s32 $0xFFFFC000  }
0x76: {  	[hbm4b:s8+s3] =	stream.linear.scatter [tilespmem:s18], [sflag:$0x2], $0x4000, $0x38;
	[tilespmem:$0x4080] =	vst v63  }
0x77: {  	_ =	swait.ge [sflag:s17], $0x4000  }
0x78: {  	[sflag:s17] =	ssyncset.done $0x0  }
0x79: {  	[sflag:s17] =	ssyncadd.s32 $0xFFFFC000  }
0x7a: {  	[tilespmem:s3], [sflag:$0x2] =	stream.linear.gather [hbm4b:s9+s3], $0x80, $0x38;
	[tilespmem:$0x4080] =	vst v63  }
0x7b: {  	_ =	swait.ge [sflag:s17], $0x80  }
0x7c: {  	[sflag:s17] =	ssyncset.done $0x0  }
0x7d: {  	[sflag:s17] =	ssyncadd.s32 $0xFFFFFF80  }
0x7e: {  	[tilespmem:s18], [sflag:$0x1] =	stream.indirect.gather [hbm4b:s1+s18], $0x80, s3, s18, $0xb8;
	[tilespmem:$0x4080] =	vst v63  }
0x7f: {  	_ =	swait.ge [sflag:s19], $0x4000  }
0x80: {  	[sflag:s19] =	ssyncset.done $0x0  }
0x81: {  	[sflag:s19] =	ssyncadd.s32 $0xFFFFC000  }
0x82: {  	[hbm4b:s10+s3] =	stream.linear.scatter [tilespmem:s18], [sflag:$0x2], $0x4000, $0x38;
	[tilespmem:$0x4080] =	vst v63  }
0x83: {  	_ =	swait.ge [sflag:s17], $0x4000  }
0x84: {  	[sflag:s17] =	ssyncset.done $0x0  }
0x85: {  	[sflag:s17] =	ssyncadd.s32 $0xFFFFC000  }
0x86: {  	[tilespmem:s3], [sflag:$0x2] =	stream.linear.gather [hbm4b:s11+s3], $0x80, $0x38;
	[tilespmem:$0x4080] =	vst v63  }
0x87: {  	_ =	swait.ge [sflag:s17], $0x80  }
0x88: {  	[sflag:s17] =	ssyncset.done $0x0  }
0x89: {  	[sflag:s17] =	ssyncadd.s32 $0xFFFFFF80  }
0x8a: {  	[tilespmem:s18], [sflag:$0x1] =	stream.indirect.gather [hbm4b:s1+s18], $0x80, s3, s18, $0xb8;
	[tilespmem:$0x4080] =	vst v63  }
0x8b: {  	_ =	swait.ge [sflag:s19], $0x4000  }
0x8c: {  	s20 =	sadd.s32 $0x1, s20;
	[sflag:s19] =	ssyncset.done $0x0  }
0x8d: {  	p0 =	seq.s32 s20, s5;
	[sflag:s19] =	ssyncadd.s32 $0xFFFFC000  }
0x8e: {  	[hbm4b:s12+s3] =	stream.linear.scatter [tilespmem:s18], [sflag:$0x2], $0x4000, $0x38;
	[tilespmem:$0x4080] =	vst v63  }
.Ltmp4:
0x8f: {  	_ = 	snop;
	(pc) =	sbr.rel @!p0 .LBB2_1-.Ltmp4, $4  }
.Ltmp5:
0x90: {  	_ = 	snop;
	(pc) =	sbr.rel @p0 .LBB2_9-.Ltmp5, $4  }
0x91: {  	_ =	swait.ge [sflag:s17], $0x4000  }
0x92: {  	[sflag:s17] =	ssyncset.done $0x0  }
0x93: {  	[sflag:s17] =	ssyncadd.s32 $0xFFFFC000  }
0x94: {  	_ = 	snop  }
.LBB2_5:
.Ltmp6:
0x95: {  	(pc) =	sbr.rel .LBB2_8-.Ltmp6, $2  }
0x96: {  	_ =	sdelay $0x2  }
0x97: {  	s21 =	simm.s32 $0x10  }
.LBB2_9:
0x98: {  	_ =	sfence.sel $0x180000  }
0x99: {  	[bflag:$0x0] =	sbarrier.arrive $0xFFFF  }
0x9a: {  	p0 =	sne.s32 s2, $0x0;
	_ =	strace $0x9000004D  }
0x9b: {  	s0 =	sadd.s32 @!p0 $0x100000, s0;
	[bflag:$0x2] =	sbarrier.arrive $0xFFFF  }
0x9c: {  	[sflag:s0] =	ssyncadd.tile.s32 @!p0 $0x1;
	_ =	shalt  }
.Lfunc_end2:
_tile_overlayer_lowered:
.L_overlay_start_2:
0x9d: {  	(tag) =	ssettag $0x2  }
0x9e: {  	s0 =	rddreg [dreg:$0x0];
	s2 =	stileid.u32  }
0x9f: {  	s1 =	rddreg [dreg:$0x1];
	p0 =	sne.s32 s2, $0x0  }
0xa0: {  	s3 =	rddreg [dreg:$0x2];
	[bflag:$0x3] =	sbarrier.arrive $0xFFFF;
	s2 =	simm.s32 @!p0 $0x1C02  }
0xa1: {  	[timem:s3], [sflag:s2] =	dma.local @!p0 [hbm:s0], s1  }
0xa2: {  	s0 =	simm.s32 @!p0 $0x2  }
0xa3: {  	_ =	swait.ge @!p0 [sflag:s0], s1  }
0xa4: {  	s1 =	ssub.s32 @!p0 $0x0, s1;
	[sflag:s0] =	ssyncset.done @!p0 $0x0  }
0xa5: {  	[sflag:s0] =	ssyncadd.s32 @!p0 s1  }
0xa6: {  	[bflag:$0x3] =	sbarrier.arrive $0xFFFF  }
0xa7: {  	_ =	shalt  }

// kernel: kernel.6.cloned.1.call-start
scs
__scs_entry_jumppad:
0x0: {  	(pc) =	sbr.rel $0x88, $3  }
0x1: {  	(tag) =	ssettag $0x0;
	lr =	simm.s32 $0x1  }
0x2: {  	[smem:$0x3F94] =	sst lr;
	_ =	strace $0xD0000000  }
0x3: {  	_ = 	snop  }
0x4: {  	_ = 	snop  }
0x5: {  	_ = 	snop  }
0x6: {  	_ = 	snop  }
0x7: {  	_ = 	snop  }
__scs_overlays_trampoline_lowered:
0x8: {  	[smem:$0x3FA3] =	sst s0  }
0x9: {  	[smem:$0x3FA4] =	sst s1  }
0xa: {  	[smem:$0x3FA5] =	sst s2  }
0xb: {  	[smem:$0x3FA6] =	sst s3  }
0xc: {  	[smem:$0x3FA7] =	sst s4  }
0xd: {  	[smem:$0x3FA8] =	sst s5  }
0xe: {  	[smem:$0x3FA9] =	sst s6  }
0xf: {  	[smem:$0x3FAA] =	sst s7  }
0x10: {  	[smem:$0x3FAB] =	sst s8  }
0x11: {  	[smem:$0x3FAC] =	sst s9;
	s0 =	simm.s32 @!p0 $0x0  }
0x12: {  	s1 =	sld [smem:$0x3F92];
	s0 =	simm.s32 @p0 $0x1  }
0x13: {  	[smem:$0x3FAD] =	sst s0;
	s0 =	simm.s32 @!p1 $0x0  }
0x14: {  	s2 =	sld [smem:$0x3F91];
	s0 =	simm.s32 @p1 $0x1  }
0x15: {  	[smem:$0x3FAE] =	sst s0;
	s0 =	simm.s32 @!p2 $0x0  }
0x16: {  	s3 =	sld [smem:$0x3FDB];
	s0 =	simm.s32 @p2 $0x1  }
0x17: {  	s4 =	simm.s32 $0x1BF5;
	[smem:$0x3FB0] =	sst s0  }
0x18: {  	s0 =	sld [smem:$0x3F93];
	_ =	swait.ge [sflag:s4], $0x0  }
0x19: {  	s7 =	sld [smem:$0x3F94]  }
0x1a: {  	s8 =	sadd.s32 $0xFFFFE003, lr  }
0x1b: {  	s9 =	sadd.s32 $0xFFFFFEF7, lr;
	s5 =	simm.s32 $0xFFFFFFFF;
	p2 =	slt.u32 s8, $0xFFFFF086  }
0x1c: {  	p1 =	slt.u32 s9, $0xF7A;
	s5 =	simm.s32 @!p2 $0x0  }
0x1d: {  	s5 =	simm.s32 @p1 $0x1;
	p0 =	seq.s32 s7, s2  }
0x1e: {  	s7 =	smul.u32 @!p0 $0xF7A, s2;
	p2 =	seq.s32 @!p0 s5, $0x0  }
0x1f: {  	s9 =	smul.u32 $0xF7A, s1;
	s8 =	simm.s32 @!p0 $0x1BF5;
	p2 =	por !p2, p0  }
0x20: {  	[sflag:s8] =	ssyncset.s32 @!p0 $0xFFFFF086;
	s6 =	sadd.s32 @!p0 s3, s7;
	s7 =	simm.s32 @!p0 $0x108  }
0x21: {  	s3 =	sadd.s32 s3, s9;
	s6 =	sadd.s32 @!p0 $0x88, s6;
	s7 =	simm.s32 @p2 $0x1082  }
0x22: {  	[simem:s7], [sflag:s8] =	dma.local @!p0 [hbm:s6], $0xF7A  }
0x23: {  	s9 =	sor.u32 $0xD0000000, s2;
	s6 =	simm.s32 $0x108;
	_ =	swait.ge @!p0 [sflag:s8], $0x0  }
0x24: {  	s3 =	sadd.s32 $0x88, s3;
	s6 =	simm.s32 @!p1 $0x1082;
	[sflag:s4] =	ssyncset.s32 $0xFFFFF086  }
0x25: {  	[simem:s6], [sflag:s4] =	dma.local [hbm:s3], $0xF7A  }
0x26: {  	[smem:$0x3F94] =	sst s1;
	(tag) =	ssettag s2;
	_ =	strace s9  }
0x27: {  	s1 =	sld [smem:$0x3FA4]  }
0x28: {  	s2 =	sld [smem:$0x3FA5]  }
0x29: {  	s4 =	sld [smem:$0x3FA7]  }
0x2a: {  	p0 =	seq.s32 s5, $0x0;
	s5 =	sld [smem:$0x3FA8]  }
0x2b: {  	s6 =	sld [smem:$0x3FA9]  }
0x2c: {  	s7 =	sld [smem:$0x3FAA]  }
0x2d: {  	s3 =	simm.s32 $0x108;
	s8 =	sld [smem:$0x3FAB]  }
0x2e: {  	s3 =	simm.s32 @!p0 $0x1082;
	s9 =	sld [smem:$0x3FAC]  }
0x2f: {  	lr =	sadd.s32 s0, s3;
	s0 =	sld [smem:$0x3FA3]  }
0x30: {  	s3 =	sld [smem:$0x3FA6]  }
0x31: {  	[smem:$0x3FAF] =	sst s10  }
0x32: {  	s10 =	sld [smem:$0x3FAD];
	_ =	sdelay $0x3  }
0x33: {  	p0 =	seq.s32 s10, $0x1;
	s10 =	sld [smem:$0x3FAF];
	_ =	sdelay $0x3  }
0x34: {  	[smem:$0x3FAF] =	sst s10  }
0x35: {  	s10 =	sld [smem:$0x3FAE];
	_ =	sdelay $0x3  }
0x36: {  	p1 =	seq.s32 s10, $0x1;
	s10 =	sld [smem:$0x3FAF];
	_ =	sdelay $0x3  }
0x37: {  	[smem:$0x3FAF] =	sst s10  }
0x38: {  	s10 =	sld [smem:$0x3FB0]  }
0x39: {  	_ = 	snop;
	(pc) =	sbr.ind lr, $3  }
0x3a: {  	_ = 	snop  }
0x3b: {  	_ = 	snop  }
0x3c: {  	p2 =	seq.s32 s10, $0x1;
	s10 =	sld [smem:$0x3FAF]  }
0x3d: {  	_ =	shalt  }
0x3e: {  	_ =	shalt  }
0x3f: {  	_ =	shalt  }
0x40: {  	_ =	shalt  }
0x41: {  	_ =	shalt  }
0x42: {  	_ =	shalt  }
0x43: {  	_ =	shalt  }
0x44: {  	_ =	shalt  }
0x45: {  	_ =	shalt  }
0x46: {  	_ =	shalt  }
0x47: {  	_ =	shalt  }
0x48: {  	_ =	shalt  }
0x49: {  	_ =	shalt  }
0x4a: {  	_ =	shalt  }
0x4b: {  	_ =	shalt  }
0x4c: {  	_ =	shalt  }
0x4d: {  	_ =	shalt  }
0x4e: {  	_ =	shalt  }
0x4f: {  	_ =	shalt  }
0x50: {  	_ =	shalt  }
0x51: {  	_ =	shalt  }
0x52: {  	_ =	shalt  }
0x53: {  	_ =	shalt  }
0x54: {  	_ =	shalt  }
0x55: {  	_ =	shalt  }
0x56: {  	_ =	shalt  }
0x57: {  	_ =	shalt  }
0x58: {  	_ =	shalt  }
0x59: {  	_ =	shalt  }
0x5a: {  	_ =	shalt  }
0x5b: {  	_ =	shalt  }
0x5c: {  	_ =	shalt  }
0x5d: {  	_ =	shalt  }
0x5e: {  	_ =	shalt  }
0x5f: {  	_ =	shalt  }
0x60: {  	_ =	shalt  }
0x61: {  	_ =	shalt  }
0x62: {  	_ =	shalt  }
0x63: {  	_ =	shalt  }
0x64: {  	_ =	shalt  }
0x65: {  	_ =	shalt  }
0x66: {  	_ =	shalt  }
0x67: {  	_ =	shalt  }
0x68: {  	_ =	shalt  }
0x69: {  	_ =	shalt  }
0x6a: {  	_ =	shalt  }
0x6b: {  	_ =	shalt  }
0x6c: {  	_ =	shalt  }
0x6d: {  	_ =	shalt  }
0x6e: {  	_ =	shalt  }
0x6f: {  	_ =	shalt  }
0x70: {  	_ =	shalt  }
0x71: {  	_ =	shalt  }
0x72: {  	_ =	shalt  }
0x73: {  	_ =	shalt  }
0x74: {  	_ =	shalt  }
0x75: {  	_ =	shalt  }
0x76: {  	_ =	shalt  }
0x77: {  	_ =	shalt  }
0x78: {  	_ =	shalt  }
0x79: {  	_ =	shalt  }
0x7a: {  	_ =	shalt  }
0x7b: {  	_ =	shalt  }
0x7c: {  	_ =	shalt  }
0x7d: {  	_ =	shalt  }
0x7e: {  	_ =	shalt  }
0x7f: {  	_ =	shalt  }
0x80: {  	_ =	shalt  }
0x81: {  	_ =	shalt  }
0x82: {  	_ =	shalt  }
0x83: {  	_ =	shalt  }
0x84: {  	_ =	shalt  }
0x85: {  	_ =	shalt  }
0x86: {  	_ =	shalt  }
0x87: {  	_ =	shalt  }
.Lfunc_end0:
.L_simem_size_0:
called_computation_lowered:
.L_overlay_start_0:
0x88: {  	s2 =	sld [smem:$0x3FD9]  }
0x89: {  	s3 =	sld [smem:$0x3FFE];
	_ =	sdelay $0x1  }
0x8a: {  	s1 =	srdreg.scid  }
0x8b: {  	s0 =	sand.u32 $0x1, s1  }
0x8c: {  	s17 =	sshll.u32 s0, $0xA;
	s2 =	sadd.s32 s3, s2  }
0x8d: {  	s2 =	sadd.s32 s2, s17  }
0x8e: {  	[smem:$0x3FBB] =	sst s2  }
0x8f: {  	_ = 	snop  }
0x90: {  	s2 =	sld [smem:$0x3FC9]  }
0x91: {  	s18 =	sld [smem:$0x3FD0];
	(tm) =	ssettm $0x1  }
0x92: {  	s4 =	sld [smem:$0x3FFB];
	_ =	sdelay $0x3  }
0x93: {  	_ =	strace s4  }
0x94: {  	s4 =	sld [smem:$0x3FFC];
	_ =	sdelay $0x3  }
0x95: {  	_ =	strace s4  }
0x96: {  	s4 =	sld [smem:$0x3FFD];
	_ =	sdelay $0x3  }
0x97: {  	_ =	strace s4  }
0x98: {  	_ =	strace $0x8FFFFFFF  }
0x99: {  	s19 =	sld [smem:$0x3FDB];
	_ =	sdelay $0x1  }
0x9a: {  	s5 =	simm.s32 $_scs_section_size  }
0x9b: {  	s6 =	simm.s32 $_size__tile_overlayer_lowered;
	s7 =	simm.s32 $_tile_overlayer_lowered  }
0x9c: {  	s22 =	simm.s32 $0x1BFF;
	s21 =	sshll.u32 s7, $0x1;
	s4 =	sadd.s32 s5, s19  }
0x9d: {  	s8 =	simm.s32 $0x0;
	s20 =	sshll.u32 s6, $0x1;
	s6 =	sadd.s32 s21, s4  }
0x9e: {  	[timem:s8], [sflag:s22] =	dma.local [hbm:s6], s20  }
0x9f: {  	_ =	swait.ge [sflag:s22], s20  }
0xa0: {  	s5 =	ssub.s32 $0x0, s20;
	[sflag:s22] =	ssyncset.done $0x0  }
0xa1: {  	[sflag:s22] =	ssyncadd.s32 s5;
	_ =	sdelay $0x1  }
0xa2: {  	s23 =	simm.s32 $0x1B8B  }
0xa3: {  	_ =	swait.ge [sflag:s23], $0x1  }
0xa4: {  	[sflag:s23] =	ssyncset.done $0x0  }
0xa5: {  	s25 =	simm.s32 $0x1B8E;
	s24 =	sld [smem:$0x3FFE];
	[sflag:s23] =	ssyncadd.s32 $0xFFFFFFFF  }
0xa6: {  	s26 =	simm.s32 $execute0_lowered;
	[smem:$0x3FD2] =	sst s25  }
0xa7: {  	s6 =	sshll.u32 s26, $0x1;
	_ =	strace $0x80000046;
	[dreg:$0x1] =	wrdreg $0xFFFFFFFF  }
0xa8: {  	s28 =	simm.s32 $_size_execute0_lowered;
	s4 =	sadd.s32 s4, s6;
	[dreg:$0x0] =	wrdreg $0x0  }
0xa9: {  	s6 =	sshll.u32 s28, $0x1;
	[dreg:$0x2] =	wrdreg s4  }
0xaa: {  	[dreg:$0x3] =	wrdreg s6  }
0xab: {  	[dreg:$0x4] =	wrdreg $0xC0  }
0xac: {  	_ =	task [dreg:s8], $0x5FFFF  }
0xad: {  	[dreg:$0x1] =	wrdreg $0xFFFFFFFF  }
0xae: {  	[dreg:$0x0] =	wrdreg $0x60  }
0xaf: {  	[dreg:$0x2] =	wrdreg s24  }
0xb0: {  	[dreg:$0x3] =	wrdreg s2  }
0xb1: {  	[dreg:$0x4] =	wrdreg s18  }
0xb2: {  	[dreg:$0x5] =	wrdreg $0x9  }
0xb3: {  	_ =	task.clear_ibuf [dreg:s8], $0x6FFFF;
	_ =	strace $0x90000046  }
0xb4: {  	s29 =	simm.s32 $0x9;
	_ =	strace $0x80000048  }
0xb5: {  	_ =	swait.ge [sflag:s29], $0x1  }
0xb6: {  	[sflag:s29] =	ssyncadd.s32 $0xFFFFFFFF  }
0xb7: {  	_ =	strace $0x90000048  }
0xb8: {  	_ =	sfence  }
0xb9: {  	s30 =	sld [smem:$0x0];
	_ =	sdelay $0x2  }
0xba: {  	s31 =	sshll.u32 s1, $0xD;
	s1 =	sshrl.u32 s1, $0x2  }
0xbb: {  	s3 =	sand.u32 $0x4000, s31;
	s1 =	sadd.s32 s1, s30  }
0xbc: {  	s0 =	sor.u32 s3, s0;
	s1 =	sshll.u32 s1, $0x11  }
0xbd: {  	s0 =	sor.u32 s1, s0  }
0xbe: {  	s0 =	sadd.s32 $0x8F2B, s0  }
0xbf: {  	[sflag:s0] =	ssyncadd.remote.s32 $0x1  }
0xc0: {  	_ =	sfence.sel $0xFFFF  }
0xc1: {  	[dreg:$0x0] =	wrdreg $0xFFFFFFFF;
	(pc) =	sbr.abs _section_cstart, $3  }
0xc2: {  	[dreg:$0x1] =	wrdreg $0xFFFFFFFF  }
0xc3: {  	_ =	task.clear_ibuf [dreg:s8], $0x2FFFF;
	_ =	strace $0x9FFFFFFF  }
0xc4: {  	(tm) =	ssettm $0x7FFFFFFF  }
0xc5: {  	_ =	shalt  }
tec
execute0_lowered:
.L_overlay_start_1:
0x0: {  	(tag) =	ssettag $0x1  }
0x1: {  	s5 =	rddreg [dreg:$0x0];
	s1 =	srdreg.scid  }
0x2: {  	s13 =	rddreg [dreg:$0x1];
	s0 =	stileid.u32;
	s15 =	sand.u32 $0x1, s1  }
0x3: {  	s14 =	rddreg [dreg:$0x2];
	s3 =	sshll.u32 s0, $0x3;
	s4 =	sshll.u32 s15, $0x2  }
0x4: {  	s2 =	simm.s32 $0x0;
	s1 =	rddreg [dreg:$0x3];
	s16 =	sor.u32 s4, s3  }
0x5: {  	[smem:$0x7FF] =	sst s2;
	s3 =	sshll.u32 s16, $0x4  }
0x6: {  	_ =	strace $0x80000047;
	s4 =	sadd.s32 s13, s3;
	s3 =	simm.s32 $0x2  }
0x7: {  	[tilespmem:s2], [sflag:$0x2] =	stream.linear.gather [hbm4b:s4+s2], $0x80, $0x38;
	[tilespmem:$0x880] =	vst v63  }
0x8: {  	_ =	swait.ge [sflag:s3], $0x80  }
0x9: {  	s6 =	simm.s32 $0x80;
	[sflag:s3] =	ssyncset.done $0x0  }
0xa: {  	s7 =	simm.s32 $0x1;
	s5 =	sadd.s32 $0x3600, s5;
	[sflag:s3] =	ssyncadd.s32 $0xFFFFFF80  }
0xb: {  	[tilespmem:s6], [sflag:$0x1] =	stream.indirect.gather [hbm4b:s5+s6], $0x10, s2, s6, $0xb8;
	[tilespmem:$0x880] =	vst v63  }
0xc: {  	_ =	swait.ge [sflag:s7], $0x800  }
0xd: {  	s8 =	sshll.u32 s16, $0x8;
	[sflag:s7] =	ssyncset.done $0x0  }
0xe: {  	s8 =	sadd.s32 s14, s8;
	[sflag:s7] =	ssyncadd.s32 $0xFFFFF800  }
0xf: {  	[hbm4b:s8+s2] =	stream.linear.scatter [tilespmem:s6], [sflag:$0x2], $0x800, $0x38;
	[tilespmem:$0x880] =	vst v63  }
0x10: {  	s10 =	sor.u32 $0x1, s16;
	_ =	swait.ge [sflag:s3], $0x800  }
0x11: {  	s9 =	sshll.u32 s10, $0x4;
	[sflag:s3] =	ssyncset.done $0x0  }
0x12: {  	s9 =	sadd.s32 s13, s9;
	[sflag:s3] =	ssyncadd.s32 $0xFFFFF800  }
0x13: {  	[tilespmem:s2], [sflag:$0x2] =	stream.linear.gather [hbm4b:s9+s2], $0x80, $0x38;
	[tilespmem:$0x880] =	vst v63  }
0x14: {  	_ =	swait.ge [sflag:s3], $0x80  }
0x15: {  	[sflag:s3] =	ssyncset.done $0x0  }
0x16: {  	[sflag:s3] =	ssyncadd.s32 $0xFFFFFF80  }
0x17: {  	[tilespmem:s6], [sflag:$0x1] =	stream.indirect.gather [hbm4b:s5+s6], $0x10, s2, s6, $0xb8;
	[tilespmem:$0x880] =	vst v63  }
0x18: {  	_ =	swait.ge [sflag:s7], $0x800  }
0x19: {  	s10 =	sshll.u32 s10, $0x8;
	[sflag:s7] =	ssyncset.done $0x0  }
0x1a: {  	s10 =	sadd.s32 s14, s10;
	[sflag:s7] =	ssyncadd.s32 $0xFFFFF800  }
0x1b: {  	[hbm4b:s10+s2] =	stream.linear.scatter [tilespmem:s6], [sflag:$0x2], $0x800, $0x38;
	[tilespmem:$0x880] =	vst v63  }
0x1c: {  	s12 =	sor.u32 $0x2, s16;
	_ =	swait.ge [sflag:s3], $0x800  }
0x1d: {  	s11 =	sshll.u32 s12, $0x4;
	[sflag:s3] =	ssyncset.done $0x0  }
0x1e: {  	s11 =	sadd.s32 s13, s11;
	[sflag:s3] =	ssyncadd.s32 $0xFFFFF800  }
0x1f: {  	[tilespmem:s2], [sflag:$0x2] =	stream.linear.gather [hbm4b:s11+s2], $0x80, $0x38;
	[tilespmem:$0x880] =	vst v63  }
0x20: {  	_ =	swait.ge [sflag:s3], $0x80  }
0x21: {  	[sflag:s3] =	ssyncset.done $0x0  }
0x22: {  	[sflag:s3] =	ssyncadd.s32 $0xFFFFFF80  }
0x23: {  	[tilespmem:s6], [sflag:$0x1] =	stream.indirect.gather [hbm4b:s5+s6], $0x10, s2, s6, $0xb8;
	[tilespmem:$0x880] =	vst v63  }
0x24: {  	_ =	swait.ge [sflag:s7], $0x800  }
0x25: {  	s12 =	sshll.u32 s12, $0x8;
	[sflag:s7] =	ssyncset.done $0x0  }
0x26: {  	s12 =	sadd.s32 s14, s12;
	[sflag:s7] =	ssyncadd.s32 $0xFFFFF800  }
0x27: {  	[hbm4b:s12+s2] =	stream.linear.scatter [tilespmem:s6], [sflag:$0x2], $0x800, $0x38;
	[tilespmem:$0x880] =	vst v63  }
0x28: {  	s16 =	sor.u32 $0x3, s16;
	_ =	swait.ge [sflag:s3], $0x800  }
0x29: {  	s17 =	sshll.u32 s16, $0x4;
	[sflag:s3] =	ssyncset.done $0x0  }
0x2a: {  	s15 =	ssub.s32 $0x2, s15;
	s13 =	sadd.s32 s13, s17;
	[sflag:s3] =	ssyncadd.s32 $0xFFFFF800  }
0x2b: {  	[tilespmem:s2], [sflag:$0x2] =	stream.linear.gather [hbm4b:s13+s2], $0x80, $0x38;
	[tilespmem:$0x880] =	vst v63  }
0x2c: {  	s31 =	sshrl.u32 s15, $0x1;
	_ =	swait.ge [sflag:s3], $0x80  }
0x2d: {  	s15 =	ssub.s32 s15, s31;
	[sflag:s3] =	ssyncset.done $0x0  }
0x2e: {  	s15 =	smax.u32 s15, $0x1;
	[sflag:s3] =	ssyncadd.s32 $0xFFFFFF80  }
0x2f: {  	[tilespmem:s6], [sflag:$0x1] =	stream.indirect.gather [hbm4b:s5+s6], $0x10, s2, s6, $0xb8;
	[tilespmem:$0x880] =	vst v63  }
0x30: {  	p0 =	sne.s32 s15, $0x1;
	_ =	swait.ge [sflag:s7], $0x800  }
.Ltmp0:
0x31: {  	s16 =	sshll.u32 s16, $0x8;
	[sflag:s7] =	ssyncset.done $0x0;
	(pc) =	sbr.rel @!p0 .LBB2_2-.Ltmp0, $4  }
0x32: {  	s14 =	sadd.s32 s14, s16;
	[sflag:s7] =	ssyncadd.s32 $0xFFFFF800  }
0x33: {  	[hbm4b:s14+s2] =	stream.linear.scatter [tilespmem:s6], [sflag:$0x2], $0x800, $0x38;
	[tilespmem:$0x880] =	vst v63  }
0x34: {  	_ =	swait.ge [sflag:s3], $0x800  }
0x35: {  	s15 =	sadd.s32 $0xFFFFFFFF, s15;
	[sflag:s3] =	ssyncset.done $0x0  }
.LBB2_1:
0x36: {  	p0 =	sne.s32 s15, $0x1;
	s15 =	sadd.s32 $0xFFFFFFFF, s15;
	[sflag:s3] =	ssyncadd.s32 $0xFFFFF800  }
0x37: {  	[tilespmem:s2], [sflag:$0x2] =	stream.linear.gather [hbm4b:s4+s2], $0x80, $0x38;
	[tilespmem:$0x880] =	vst v63  }
0x38: {  	_ =	swait.ge [sflag:s3], $0x80  }
0x39: {  	[sflag:s3] =	ssyncset.done $0x0  }
0x3a: {  	[sflag:s3] =	ssyncadd.s32 $0xFFFFFF80  }
0x3b: {  	[tilespmem:s6], [sflag:$0x1] =	stream.indirect.gather [hbm4b:s5+s6], $0x10, s2, s6, $0xb8;
	[tilespmem:$0x880] =	vst v63  }
0x3c: {  	_ =	swait.ge [sflag:s7], $0x800  }
0x3d: {  	[sflag:s7] =	ssyncset.done $0x0  }
0x3e: {  	[sflag:s7] =	ssyncadd.s32 $0xFFFFF800  }
0x3f: {  	[hbm4b:s8+s2] =	stream.linear.scatter [tilespmem:s6], [sflag:$0x2], $0x800, $0x38;
	[tilespmem:$0x880] =	vst v63  }
0x40: {  	_ =	swait.ge [sflag:s3], $0x800  }
0x41: {  	[sflag:s3] =	ssyncset.done $0x0  }
0x42: {  	[sflag:s3] =	ssyncadd.s32 $0xFFFFF800  }
0x43: {  	[tilespmem:s2], [sflag:$0x2] =	stream.linear.gather [hbm4b:s9+s2], $0x80, $0x38;
	[tilespmem:$0x880] =	vst v63  }
0x44: {  	_ =	swait.ge [sflag:s3], $0x80  }
0x45: {  	[sflag:s3] =	ssyncset.done $0x0  }
0x46: {  	[sflag:s3] =	ssyncadd.s32 $0xFFFFFF80  }
0x47: {  	[tilespmem:s6], [sflag:$0x1] =	stream.indirect.gather [hbm4b:s5+s6], $0x10, s2, s6, $0xb8;
	[tilespmem:$0x880] =	vst v63  }
0x48: {  	_ =	swait.ge [sflag:s7], $0x800  }
0x49: {  	[sflag:s7] =	ssyncset.done $0x0  }
0x4a: {  	[sflag:s7] =	ssyncadd.s32 $0xFFFFF800  }
0x4b: {  	[hbm4b:s10+s2] =	stream.linear.scatter [tilespmem:s6], [sflag:$0x2], $0x800, $0x38;
	[tilespmem:$0x880] =	vst v63  }
0x4c: {  	_ =	swait.ge [sflag:s3], $0x800  }
0x4d: {  	[sflag:s3] =	ssyncset.done $0x0  }
0x4e: {  	[sflag:s3] =	ssyncadd.s32 $0xFFFFF800  }
0x4f: {  	[tilespmem:s2], [sflag:$0x2] =	stream.linear.gather [hbm4b:s11+s2], $0x80, $0x38;
	[tilespmem:$0x880] =	vst v63  }
0x50: {  	_ =	swait.ge [sflag:s3], $0x80  }
0x51: {  	[sflag:s3] =	ssyncset.done $0x0  }
0x52: {  	[sflag:s3] =	ssyncadd.s32 $0xFFFFFF80  }
0x53: {  	[tilespmem:s6], [sflag:$0x1] =	stream.indirect.gather [hbm4b:s5+s6], $0x10, s2, s6, $0xb8;
	[tilespmem:$0x880] =	vst v63  }
0x54: {  	_ =	swait.ge [sflag:s7], $0x800  }
0x55: {  	[sflag:s7] =	ssyncset.done $0x0  }
0x56: {  	[sflag:s7] =	ssyncadd.s32 $0xFFFFF800  }
0x57: {  	[hbm4b:s12+s2] =	stream.linear.scatter [tilespmem:s6], [sflag:$0x2], $0x800, $0x38;
	[tilespmem:$0x880] =	vst v63  }
0x58: {  	_ =	swait.ge [sflag:s3], $0x800  }
0x59: {  	[sflag:s3] =	ssyncset.done $0x0  }
0x5a: {  	[sflag:s3] =	ssyncadd.s32 $0xFFFFF800  }
0x5b: {  	[tilespmem:s2], [sflag:$0x2] =	stream.linear.gather [hbm4b:s13+s2], $0x80, $0x38;
	[tilespmem:$0x880] =	vst v63  }
0x5c: {  	_ =	swait.ge [sflag:s3], $0x80  }
0x5d: {  	[sflag:s3] =	ssyncset.done $0x0  }
0x5e: {  	[sflag:s3] =	ssyncadd.s32 $0xFFFFFF80  }
0x5f: {  	[tilespmem:s6], [sflag:$0x1] =	stream.indirect.gather [hbm4b:s5+s6], $0x10, s2, s6, $0xb8;
	[tilespmem:$0x880] =	vst v63  }
0x60: {  	_ =	swait.ge [sflag:s7], $0x800  }
.Ltmp1:
0x61: {  	[sflag:s7] =	ssyncset.done $0x0;
	(pc) =	sbr.rel @p0 .LBB2_1-.Ltmp1, $4  }
0x62: {  	[sflag:s7] =	ssyncadd.s32 $0xFFFFF800  }
0x63: {  	[hbm4b:s14+s2] =	stream.linear.scatter [tilespmem:s6], [sflag:$0x2], $0x800, $0x38;
	[tilespmem:$0x880] =	vst v63  }
0x64: {  	_ =	swait.ge [sflag:s3], $0x800  }
0x65: {  	[sflag:s3] =	ssyncset.done $0x0  }
.LBB2_2:
0x66: {  	[sflag:s3] =	ssyncadd.s32 $0xFFFFF800  }
0x67: {  	_ =	sfence.sel $0x180000  }
0x68: {  	[bflag:$0x0] =	sbarrier.arrive $0xFFFF  }
0x69: {  	p0 =	sne.s32 s0, $0x0;
	_ =	strace $0x90000047  }
0x6a: {  	s0 =	sadd.s32 @!p0 $0x100000, s1;
	[bflag:$0x2] =	sbarrier.arrive $0xFFFF  }
0x6b: {  	[sflag:s0] =	ssyncadd.tile.s32 @!p0 $0x1;
	_ =	shalt  }
.Lfunc_end2:
_tile_overlayer_lowered:
.L_overlay_start_2:
0x6c: {  	(tag) =	ssettag $0x2  }
0x6d: {  	s0 =	rddreg [dreg:$0x0];
	s2 =	stileid.u32  }
0x6e: {  	s1 =	rddreg [dreg:$0x1];
	p0 =	sne.s32 s2, $0x0  }
0x6f: {  	s3 =	rddreg [dreg:$0x2];
	[bflag:$0x3] =	sbarrier.arrive $0xFFFF;
	s2 =	simm.s32 @!p0 $0x1C02  }
0x70: {  	[timem:s3], [sflag:s2] =	dma.local @!p0 [hbm:s0], s1  }
0x71: {  	s0 =	simm.s32 @!p0 $0x2  }
0x72: {  	_ =	swait.ge @!p0 [sflag:s0], s1  }
0x73: {  	s1 =	ssub.s32 @!p0 $0x0, s1;
	[sflag:s0] =	ssyncset.done @!p0 $0x0  }
0x74: {  	[sflag:s0] =	ssyncadd.s32 @!p0 s1  }
0x75: {  	[bflag:$0x3] =	sbarrier.arrive $0xFFFF  }
0x76: {  	_ =	shalt  }

// kernel: kernel.9.cloned.1.call-start
scs
__scs_entry_jumppad:
0x0: {  	(pc) =	sbr.rel $0x88, $3  }
0x1: {  	(tag) =	ssettag $0x0;
	lr =	simm.s32 $0x1  }
0x2: {  	[smem:$0x3F94] =	sst lr;
	_ =	strace $0xD0000000  }
0x3: {  	_ = 	snop  }
0x4: {  	_ = 	snop  }
0x5: {  	_ = 	snop  }
0x6: {  	_ = 	snop  }
0x7: {  	_ = 	snop  }
__scs_overlays_trampoline_lowered:
0x8: {  	[smem:$0x3FA3] =	sst s0  }
0x9: {  	[smem:$0x3FA4] =	sst s1  }
0xa: {  	[smem:$0x3FA5] =	sst s2  }
0xb: {  	[smem:$0x3FA6] =	sst s3  }
0xc: {  	[smem:$0x3FA7] =	sst s4  }
0xd: {  	[smem:$0x3FA8] =	sst s5  }
0xe: {  	[smem:$0x3FA9] =	sst s6  }
0xf: {  	[smem:$0x3FAA] =	sst s7  }
0x10: {  	[smem:$0x3FAB] =	sst s8  }
0x11: {  	[smem:$0x3FAC] =	sst s9;
	s0 =	simm.s32 @!p0 $0x0  }
0x12: {  	s1 =	sld [smem:$0x3F92];
	s0 =	simm.s32 @p0 $0x1  }
0x13: {  	[smem:$0x3FAD] =	sst s0;
	s0 =	simm.s32 @!p1 $0x0  }
0x14: {  	s2 =	sld [smem:$0x3F91];
	s0 =	simm.s32 @p1 $0x1  }
0x15: {  	[smem:$0x3FAE] =	sst s0;
	s0 =	simm.s32 @!p2 $0x0  }
0x16: {  	s3 =	sld [smem:$0x3FDB];
	s0 =	simm.s32 @p2 $0x1  }
0x17: {  	s4 =	simm.s32 $0x1BF5;
	[smem:$0x3FB0] =	sst s0  }
0x18: {  	s0 =	sld [smem:$0x3F93];
	_ =	swait.ge [sflag:s4], $0x0  }
0x19: {  	s7 =	sld [smem:$0x3F94]  }
0x1a: {  	s8 =	sadd.s32 $0xFFFFE003, lr  }
0x1b: {  	s9 =	sadd.s32 $0xFFFFFEF7, lr;
	s5 =	simm.s32 $0xFFFFFFFF;
	p2 =	slt.u32 s8, $0xFFFFF086  }
0x1c: {  	p1 =	slt.u32 s9, $0xF7A;
	s5 =	simm.s32 @!p2 $0x0  }
0x1d: {  	s5 =	simm.s32 @p1 $0x1;
	p0 =	seq.s32 s7, s2  }
0x1e: {  	s7 =	smul.u32 @!p0 $0xF7A, s2;
	p2 =	seq.s32 @!p0 s5, $0x0  }
0x1f: {  	s9 =	smul.u32 $0xF7A, s1;
	s8 =	simm.s32 @!p0 $0x1BF5;
	p2 =	por !p2, p0  }
0x20: {  	[sflag:s8] =	ssyncset.s32 @!p0 $0xFFFFF086;
	s6 =	sadd.s32 @!p0 s3, s7;
	s7 =	simm.s32 @!p0 $0x108  }
0x21: {  	s3 =	sadd.s32 s3, s9;
	s6 =	sadd.s32 @!p0 $0x88, s6;
	s7 =	simm.s32 @p2 $0x1082  }
0x22: {  	[simem:s7], [sflag:s8] =	dma.local @!p0 [hbm:s6], $0xF7A  }
0x23: {  	s9 =	sor.u32 $0xD0000000, s2;
	s6 =	simm.s32 $0x108;
	_ =	swait.ge @!p0 [sflag:s8], $0x0  }
0x24: {  	s3 =	sadd.s32 $0x88, s3;
	s6 =	simm.s32 @!p1 $0x1082;
	[sflag:s4] =	ssyncset.s32 $0xFFFFF086  }
0x25: {  	[simem:s6], [sflag:s4] =	dma.local [hbm:s3], $0xF7A  }
0x26: {  	[smem:$0x3F94] =	sst s1;
	(tag) =	ssettag s2;
	_ =	strace s9  }
0x27: {  	s1 =	sld [smem:$0x3FA4]  }
0x28: {  	s2 =	sld [smem:$0x3FA5]  }
0x29: {  	s4 =	sld [smem:$0x3FA7]  }
0x2a: {  	p0 =	seq.s32 s5, $0x0;
	s5 =	sld [smem:$0x3FA8]  }
0x2b: {  	s6 =	sld [smem:$0x3FA9]  }
0x2c: {  	s7 =	sld [smem:$0x3FAA]  }
0x2d: {  	s3 =	simm.s32 $0x108;
	s8 =	sld [smem:$0x3FAB]  }
0x2e: {  	s3 =	simm.s32 @!p0 $0x1082;
	s9 =	sld [smem:$0x3FAC]  }
0x2f: {  	lr =	sadd.s32 s0, s3;
	s0 =	sld [smem:$0x3FA3]  }
0x30: {  	s3 =	sld [smem:$0x3FA6]  }
0x31: {  	[smem:$0x3FAF] =	sst s10  }
0x32: {  	s10 =	sld [smem:$0x3FAD];
	_ =	sdelay $0x3  }
0x33: {  	p0 =	seq.s32 s10, $0x1;
	s10 =	sld [smem:$0x3FAF];
	_ =	sdelay $0x3  }
0x34: {  	[smem:$0x3FAF] =	sst s10  }
0x35: {  	s10 =	sld [smem:$0x3FAE];
	_ =	sdelay $0x3  }
0x36: {  	p1 =	seq.s32 s10, $0x1;
	s10 =	sld [smem:$0x3FAF];
	_ =	sdelay $0x3  }
0x37: {  	[smem:$0x3FAF] =	sst s10  }
0x38: {  	s10 =	sld [smem:$0x3FB0]  }
0x39: {  	_ = 	snop;
	(pc) =	sbr.ind lr, $3  }
0x3a: {  	_ = 	snop  }
0x3b: {  	_ = 	snop  }
0x3c: {  	p2 =	seq.s32 s10, $0x1;
	s10 =	sld [smem:$0x3FAF]  }
0x3d: {  	_ =	shalt  }
0x3e: {  	_ =	shalt  }
0x3f: {  	_ =	shalt  }
0x40: {  	_ =	shalt  }
0x41: {  	_ =	shalt  }
0x42: {  	_ =	shalt  }
0x43: {  	_ =	shalt  }
0x44: {  	_ =	shalt  }
0x45: {  	_ =	shalt  }
0x46: {  	_ =	shalt  }
0x47: {  	_ =	shalt  }
0x48: {  	_ =	shalt  }
0x49: {  	_ =	shalt  }
0x4a: {  	_ =	shalt  }
0x4b: {  	_ =	shalt  }
0x4c: {  	_ =	shalt  }
0x4d: {  	_ =	shalt  }
0x4e: {  	_ =	shalt  }
0x4f: {  	_ =	shalt  }
0x50: {  	_ =	shalt  }
0x51: {  	_ =	shalt  }
0x52: {  	_ =	shalt  }
0x53: {  	_ =	shalt  }
0x54: {  	_ =	shalt  }
0x55: {  	_ =	shalt  }
0x56: {  	_ =	shalt  }
0x57: {  	_ =	shalt  }
0x58: {  	_ =	shalt  }
0x59: {  	_ =	shalt  }
0x5a: {  	_ =	shalt  }
0x5b: {  	_ =	shalt  }
0x5c: {  	_ =	shalt  }
0x5d: {  	_ =	shalt  }
0x5e: {  	_ =	shalt  }
0x5f: {  	_ =	shalt  }
0x60: {  	_ =	shalt  }
0x61: {  	_ =	shalt  }
0x62: {  	_ =	shalt  }
0x63: {  	_ =	shalt  }
0x64: {  	_ =	shalt  }
0x65: {  	_ =	shalt  }
0x66: {  	_ =	shalt  }
0x67: {  	_ =	shalt  }
0x68: {  	_ =	shalt  }
0x69: {  	_ =	shalt  }
0x6a: {  	_ =	shalt  }
0x6b: {  	_ =	shalt  }
0x6c: {  	_ =	shalt  }
0x6d: {  	_ =	shalt  }
0x6e: {  	_ =	shalt  }
0x6f: {  	_ =	shalt  }
0x70: {  	_ =	shalt  }
0x71: {  	_ =	shalt  }
0x72: {  	_ =	shalt  }
0x73: {  	_ =	shalt  }
0x74: {  	_ =	shalt  }
0x75: {  	_ =	shalt  }
0x76: {  	_ =	shalt  }
0x77: {  	_ =	shalt  }
0x78: {  	_ =	shalt  }
0x79: {  	_ =	shalt  }
0x7a: {  	_ =	shalt  }
0x7b: {  	_ =	shalt  }
0x7c: {  	_ =	shalt  }
0x7d: {  	_ =	shalt  }
0x7e: {  	_ =	shalt  }
0x7f: {  	_ =	shalt  }
0x80: {  	_ =	shalt  }
0x81: {  	_ =	shalt  }
0x82: {  	_ =	shalt  }
0x83: {  	_ =	shalt  }
0x84: {  	_ =	shalt  }
0x85: {  	_ =	shalt  }
0x86: {  	_ =	shalt  }
0x87: {  	_ =	shalt  }
.Lfunc_end0:
.L_simem_size_0:
called_computation.1_lowered:
.L_overlay_start_0:
0x88: {  	s2 =	sld [smem:$0x3FD9]  }
0x89: {  	s3 =	sld [smem:$0x3FFE];
	_ =	sdelay $0x1  }
0x8a: {  	s1 =	srdreg.scid  }
0x8b: {  	s0 =	sand.u32 $0x1, s1  }
0x8c: {  	s17 =	sshll.u32 s0, $0xA;
	s2 =	sadd.s32 s3, s2  }
0x8d: {  	s2 =	sadd.s32 s2, s17  }
0x8e: {  	[smem:$0x3FBB] =	sst s2  }
0x8f: {  	_ = 	snop  }
0x90: {  	s2 =	sld [smem:$0x3FD0];
	(tm) =	ssettm $0x1  }
0x91: {  	s18 =	sld [smem:$0x3FFB];
	_ =	sdelay $0x3  }
0x92: {  	_ =	strace s18  }
0x93: {  	s3 =	sld [smem:$0x3FFC];
	_ =	sdelay $0x3  }
0x94: {  	_ =	strace s3  }
0x95: {  	s3 =	sld [smem:$0x3FFD];
	_ =	sdelay $0x3  }
0x96: {  	_ =	strace s3  }
0x97: {  	_ =	strace $0x8FFFFFFF  }
0x98: {  	s19 =	sld [smem:$0x3FDB];
	_ =	sdelay $0x1  }
0x99: {  	s4 =	simm.s32 $_scs_section_size  }
0x9a: {  	s5 =	simm.s32 $_size__tile_overlayer_lowered;
	s6 =	simm.s32 $_tile_overlayer_lowered  }
0x9b: {  	s22 =	simm.s32 $0x1BFF;
	s21 =	sshll.u32 s6, $0x1;
	s3 =	sadd.s32 s4, s19  }
0x9c: {  	s7 =	simm.s32 $0x0;
	s20 =	sshll.u32 s5, $0x1;
	s5 =	sadd.s32 s21, s3  }
0x9d: {  	[timem:s7], [sflag:s22] =	dma.local [hbm:s5], s20  }
0x9e: {  	_ =	swait.ge [sflag:s22], s20  }
0x9f: {  	s4 =	ssub.s32 $0x0, s20;
	[sflag:s22] =	ssyncset.done $0x0  }
0xa0: {  	[sflag:s22] =	ssyncadd.s32 s4;
	_ =	sdelay $0x1  }
0xa1: {  	s23 =	simm.s32 $0x1B8B  }
0xa2: {  	_ =	swait.ge [sflag:s23], $0x1  }
0xa3: {  	[sflag:s23] =	ssyncset.done $0x0  }
0xa4: {  	s25 =	simm.s32 $0x1B8E;
	s24 =	sld [smem:$0x3FFE];
	[sflag:s23] =	ssyncadd.s32 $0xFFFFFFFF  }
0xa5: {  	s26 =	simm.s32 $execute0_lowered;
	[smem:$0x3FD2] =	sst s25  }
0xa6: {  	s5 =	sshll.u32 s26, $0x1;
	_ =	strace $0x80000049;
	[dreg:$0x1] =	wrdreg $0xFFFFFFFF  }
0xa7: {  	s28 =	simm.s32 $_size_execute0_lowered;
	s3 =	sadd.s32 s3, s5;
	[dreg:$0x0] =	wrdreg $0x0  }
0xa8: {  	s5 =	sshll.u32 s28, $0x1;
	[dreg:$0x2] =	wrdreg s3  }
0xa9: {  	[dreg:$0x3] =	wrdreg s5  }
0xaa: {  	[dreg:$0x4] =	wrdreg $0xC0  }
0xab: {  	_ =	task [dreg:s7], $0x5FFFF  }
0xac: {  	[dreg:$0x1] =	wrdreg $0xFFFFFFFF  }
0xad: {  	[dreg:$0x0] =	wrdreg $0x60  }
0xae: {  	[dreg:$0x2] =	wrdreg s24  }
0xaf: {  	[dreg:$0x3] =	wrdreg s2  }
0xb0: {  	[dreg:$0x4] =	wrdreg $0x9  }
0xb1: {  	_ =	task.clear_ibuf [dreg:s7], $0x5FFFF;
	_ =	strace $0x90000049  }
0xb2: {  	s29 =	simm.s32 $0x9;
	_ =	strace $0x8000004B  }
0xb3: {  	_ =	swait.ge [sflag:s29], $0x1  }
0xb4: {  	[sflag:s29] =	ssyncadd.s32 $0xFFFFFFFF  }
0xb5: {  	_ =	strace $0x9000004B  }
0xb6: {  	_ =	sfence  }
0xb7: {  	s30 =	sld [smem:$0x0];
	_ =	sdelay $0x2  }
0xb8: {  	s31 =	sshll.u32 s1, $0xD;
	s1 =	sshrl.u32 s1, $0x2  }
0xb9: {  	s3 =	sand.u32 $0x4000, s31;
	s1 =	sadd.s32 s1, s30  }
0xba: {  	s0 =	sor.u32 s3, s0;
	s1 =	sshll.u32 s1, $0x11  }
0xbb: {  	s0 =	sor.u32 s1, s0  }
0xbc: {  	s0 =	sadd.s32 $0x8F2B, s0  }
0xbd: {  	[sflag:s0] =	ssyncadd.remote.s32 $0x1  }
0xbe: {  	_ =	sfence.sel $0xFFFF  }
0xbf: {  	[dreg:$0x0] =	wrdreg $0xFFFFFFFF;
	(pc) =	sbr.abs _section_cstart, $3  }
0xc0: {  	[dreg:$0x1] =	wrdreg $0xFFFFFFFF  }
0xc1: {  	_ =	task.clear_ibuf [dreg:s7], $0x2FFFF;
	_ =	strace $0x9FFFFFFF  }
0xc2: {  	(tm) =	ssettm $0x7FFFFFFF  }
0xc3: {  	_ =	shalt  }
tec
execute0_lowered:
.L_overlay_start_1:
0x0: {  	(tag) =	ssettag $0x1  }
0x1: {  	s5 =	rddreg [dreg:$0x0]  }
0x2: {  	s6 =	rddreg [dreg:$0x1]  }
0x3: {  	s0 =	rddreg [dreg:$0x2]  }
0x4: {  	s2 =	simm.s32 $0x0;
	s1 =	stileid.u32;
	s4 =	srdreg.scid  }
0x5: {  	[smem:$0x7FF] =	sst s2;
	s7 =	smul.u32 $0x500, s1  }
0x6: {  	s8 =	sand.u32 $0x1, s4;
	s4 =	sadd.s32 $0x586A00, s5;
	s9 =	smul.u32 $0x5000, s1  }
0x7: {  	s3 =	sadd.s32 $0x8600, s5;
	_ =	strace $0x8000004A;
	s12 =	smul.u32 $0x2800, s8  }
0x8: {  	s10 =	ssub.s32 $0x2, s8;
	s8 =	smul.u32 $0x280, s8;
	s11 =	sadd.s32 s7, s5  }
0x9: {  	s29 =	sshrl.u32 s10, $0x1;
	s13 =	sadd.s32 s9, s5;
	s9 =	sadd.s32 s9, s6  }
0xa: {  	s30 =	ssub.s32 s10, s29;
	s31 =	sadd.s32 s12, s13;
	s7 =	sadd.s32 s12, s9  }
0xb: {  	s8 =	sadd.s32 s8, s11;
	s9 =	simm.s32 $0x2;
	s10 =	simm.s32 $0x80  }
0xc: {  	s11 =	simm.s32 $0x1;
	s12 =	simm.s32 $0x880;
	s13 =	simm.s32 $0x0  }
0xd: {  	s5 =	smax.u32 s30, $0x1;
	s6 =	sadd.s32 $0xA9A00, s31;
	s8 =	sadd.s32 $0xA4A00, s8  }
.LBB2_1:
0xe: {  	[tilespmem:s2], [sflag:$0x2] =	stream.linear.gather [hbm4b:s8+s2], $0x80, $0x38;
	[tilespmem:$0x1080] =	vst v63  }
0xf: {  	_ =	swait.ge [sflag:s9], $0x80  }
0x10: {  	[sflag:s9] =	ssyncset.done $0x0  }
0x11: {  	[sflag:s9] =	ssyncadd.s32 $0xFFFFFF80  }
0x12: {  	[tilespmem:s10], [sflag:$0x1] =	stream.indirect.gather [hbm4b:s3+s10], $0x10, s2, s10, $0xb8;
	[tilespmem:$0x1080] =	vst v63  }
0x13: {  	_ =	swait.ge [sflag:s11], $0x800  }
0x14: {  	[sflag:s11] =	ssyncset.done $0x0  }
0x15: {  	[sflag:s11] =	ssyncadd.s32 $0xFFFFF800  }
0x16: {  	[tilespmem:s12], [sflag:$0x1] =	stream.indirect.gather [hbm4b:s4+s10], $0x10, s2, s10, $0xb8;
	[tilespmem:$0x1080] =	vst v63  }
0x17: {  	_ =	swait.ge [sflag:s11], $0x800  }
0x18: {  	[sflag:s11] =	ssyncset.done $0x0  }
0x19: {  	s14 =	sadd.s32 $0x0, s7;
	[sflag:s11] =	ssyncadd.s32 $0xFFFFF800  }
0x1a: {  	[hbm4b:s14+s2] =	stream.linear.scatter [tilespmem:s10], [sflag:$0x2], $0x800, $0x38;
	[tilespmem:$0x1080] =	vst v63  }
0x1b: {  	_ =	swait.ge [sflag:s9], $0x800  }
0x1c: {  	[sflag:s9] =	ssyncset.done $0x0  }
0x1d: {  	s31 =	sadd.s32 $0x0, s6;
	[sflag:s9] =	ssyncadd.s32 $0xFFFFF800  }
0x1e: {  	[hbm4b:s31+s2] =	stream.linear.scatter [tilespmem:s12], [sflag:$0x2], $0x800, $0x38;
	[tilespmem:$0x1080] =	vst v63  }
0x1f: {  	_ =	swait.ge [sflag:s9], $0x800  }
0x20: {  	s15 =	smov.u32 s8;
	s14 =	simm.s32 $0x100;
	[sflag:s9] =	ssyncset.done $0x0  }
.LBB2_2:
0x21: {  	p0 =	sne.s32 s14, $0x2700;
	[sflag:s9] =	ssyncadd.s32 $0xFFFFF800;
	s15 =	sadd.s32 $0x10, s15  }
0x22: {  	[tilespmem:s2], [sflag:$0x2] =	stream.linear.gather [hbm4b:s15+s2], $0x80, $0x38;
	[tilespmem:$0x1080] =	vst v63  }
0x23: {  	s16 =	smov.u32 s14;
	s14 =	sadd.s32 $0x100, s14;
	_ =	swait.ge [sflag:s9], $0x80  }
0x24: {  	[sflag:s9] =	ssyncset.done $0x0  }
0x25: {  	[sflag:s9] =	ssyncadd.s32 $0xFFFFFF80  }
0x26: {  	[tilespmem:s10], [sflag:$0x1] =	stream.indirect.gather [hbm4b:s3+s10], $0x10, s2, s10, $0xb8;
	[tilespmem:$0x1080] =	vst v63  }
0x27: {  	_ =	swait.ge [sflag:s11], $0x800  }
0x28: {  	[sflag:s11] =	ssyncset.done $0x0  }
0x29: {  	[sflag:s11] =	ssyncadd.s32 $0xFFFFF800  }
0x2a: {  	[tilespmem:s12], [sflag:$0x1] =	stream.indirect.gather [hbm4b:s4+s10], $0x10, s2, s10, $0xb8;
	[tilespmem:$0x1080] =	vst v63  }
0x2b: {  	_ =	swait.ge [sflag:s11], $0x800  }
0x2c: {  	[sflag:s11] =	ssyncset.done $0x0  }
0x2d: {  	s17 =	sadd.s32 s16, s7;
	[sflag:s11] =	ssyncadd.s32 $0xFFFFF800  }
0x2e: {  	[hbm4b:s17+s2] =	stream.linear.scatter [tilespmem:s10], [sflag:$0x2], $0x800, $0x38;
	[tilespmem:$0x1080] =	vst v63  }
0x2f: {  	_ =	swait.ge [sflag:s9], $0x800  }
.Ltmp0:
0x30: {  	[sflag:s9] =	ssyncset.done $0x0;
	(pc) =	sbr.rel @p0 .LBB2_2-.Ltmp0, $4  }
0x31: {  	s16 =	sadd.s32 s16, s6;
	[sflag:s9] =	ssyncadd.s32 $0xFFFFF800  }
0x32: {  	[hbm4b:s16+s2] =	stream.linear.scatter [tilespmem:s12], [sflag:$0x2], $0x800, $0x38;
	[tilespmem:$0x1080] =	vst v63  }
0x33: {  	_ =	swait.ge [sflag:s9], $0x800  }
0x34: {  	[sflag:s9] =	ssyncset.done $0x0  }
0x35: {  	s13 =	sadd.s32 $0x1, s13  }
0x36: {  	p0 =	sne.s32 s13, s5  }
.Ltmp1:
0x37: {  	_ = 	snop;
	(pc) =	sbr.rel @p0 .LBB2_1-.Ltmp1, $2  }
0x38: {  	_ =	sdelay $0x2  }
0x39: {  	[sflag:s9] =	ssyncadd.s32 $0xFFFFF800  }
0x3a: {  	_ =	sfence.sel $0x180000  }
0x3b: {  	[bflag:$0x0] =	sbarrier.arrive $0xFFFF  }
0x3c: {  	p0 =	sne.s32 s1, $0x0;
	_ =	strace $0x9000004A  }
0x3d: {  	s0 =	sadd.s32 @!p0 $0x100000, s0;
	[bflag:$0x2] =	sbarrier.arrive $0xFFFF  }
0x3e: {  	[sflag:s0] =	ssyncadd.tile.s32 @!p0 $0x1;
	_ =	shalt  }
.Lfunc_end2:
_tile_overlayer_lowered:
.L_overlay_start_2:
0x3f: {  	(tag) =	ssettag $0x2  }
0x40: {  	s0 =	rddreg [dreg:$0x0];
	s2 =	stileid.u32  }
0x41: {  	s1 =	rddreg [dreg:$0x1];
	p0 =	sne.s32 s2, $0x0  }
0x42: {  	s3 =	rddreg [dreg:$0x2];
	[bflag:$0x3] =	sbarrier.arrive $0xFFFF;
	s2 =	simm.s32 @!p0 $0x1C02  }
0x43: {  	[timem:s3], [sflag:s2] =	dma.local @!p0 [hbm:s0], s1  }
0x44: {  	s0 =	simm.s32 @!p0 $0x2  }
0x45: {  	_ =	swait.ge @!p0 [sflag:s0], s1  }
0x46: {  	s1 =	ssub.s32 @!p0 $0x0, s1;
	[sflag:s0] =	ssyncset.done @!p0 $0x0  }
0x47: {  	[sflag:s0] =	ssyncadd.s32 @!p0 s1  }
0x48: {  	[bflag:$0x3] =	sbarrier.arrive $0xFFFF  }
0x49: {  	_ =	shalt  }

</sc_bundles>
